<compile_context>
chip_gen: v7x
topology: tpu7x:2x2x1
jax: 0.10.2.dev20260603
libtpu: 0.0.44.dev20260713+nightly
codegen_flags: <defaults>
</compile_context>

<pallas_src>
import functools

import jax
import jax.numpy as jnp
from jax import lax
from jax.experimental import pallas as pl
from jax.experimental.pallas import tpu as pltpu
from jax.experimental.pallas import tpu_sc as plsc

TOPK = 5
TPAD = 8
KB = 2000
BIG = 1e30
IBIG = 2**31 - 1


def _stage_a_body(kreal, k_ref, qt_ref, cd_ref, ci_ref):
    b = pl.program_id(0)
    qt = qt_ref[...]
    kb = k_ref[...]
    qn = qt.shape[1]
    mm = lax.dot_general(kb, qt, (((1,), (0,)), ((), ())),
                         preferred_element_type=jnp.float32)
    qsq = jnp.sum(qt * qt, axis=0, keepdims=True)
    ksq = jnp.sum(kb * kb, axis=1, keepdims=True)
    rowc = lax.broadcasted_iota(jnp.int32, (KB, 1), 0) + b * KB
    if kreal % KB != 0:
        ksq = ksq + jnp.where(rowc >= kreal,
                              jnp.float32(BIG), jnp.float32(0.0))
    s0 = (qsq + ksq) - 2.0 * mm
    li = lax.broadcasted_iota(jnp.int32, (1, KB), 1)
    lhs = jnp.concatenate(
        [(li // 64).astype(jnp.float32),
         (li % 64).astype(jnp.float32),
         jnp.ones((1, KB), jnp.float32)], axis=0)
    srow = lax.broadcasted_iota(jnp.int32, (TPAD, qn), 0)
    res_d = jnp.full((TPAD, qn), jnp.float32(BIG))
    res_i = jnp.full((TPAD, qn), IBIG, jnp.int32)
    cmax = jnp.zeros((1, qn), jnp.float32)
    s = s0
    for t in range(TOPK):
        m = jnp.min(s, axis=0, keepdims=True)
        eq = s == m
        eqf = jnp.where(eq, jnp.float32(1.0), jnp.float32(0.0))
        rc = lax.dot_general(lhs, eqf, (((1,), (0,)), ((), ())),
                             preferred_element_type=jnp.float32)
        am = (rc[0:1, :] * 64.0 + rc[1:2, :]).astype(jnp.int32) + b * KB
        cmax = jnp.maximum(cmax, rc[2:3, :])
        res_d = jnp.where(srow == t, m, res_d)
        res_i = jnp.where(srow == t, am, res_i)
        if t < TOPK - 1:
            s = jnp.where(eq, jnp.float32(BIG), s)
    cd_ref[...] = res_d.reshape(1, TPAD, qn)
    ci_ref[...] = res_i.reshape(1, TPAD, qn)

    @pl.when(jnp.max(cmax) > 1.5)
    def _slow_path():
        sd = s0
        rd = jnp.full((TPAD, qn), jnp.float32(BIG))
        ri = jnp.full((TPAD, qn), IBIG, jnp.int32)
        for t in range(TOPK):
            m = jnp.min(sd, axis=0, keepdims=True)
            eq = sd == m
            am = jnp.min(jnp.where(eq, rowc, IBIG), axis=0, keepdims=True)
            rd = jnp.where(srow == t, m, rd)
            ri = jnp.where(srow == t, am, ri)
            if t < TOPK - 1:
                sd = jnp.where(rowc == am, jnp.float32(BIG), sd)
        cd_ref[...] = rd.reshape(1, TPAD, qn)
        ci_ref[...] = ri.reshape(1, TPAD, qn)


def _stage_b_body(cd_ref, ci_ref, od_ref, oi_ref):
    nb, tpad, qn = cd_ref.shape
    cd = cd_ref[...].reshape(nb * tpad, qn)
    ci = ci_ref[...].reshape(nb * tpad, qn)
    for t in range(TOPK):
        m = jnp.min(cd, axis=0, keepdims=True)
        eq = cd == m
        am = jnp.min(jnp.where(eq, ci, IBIG), axis=0, keepdims=True)
        od_ref[t:t + 1, :] = m
        oi_ref[t:t + 1, :] = am
        if t < TOPK - 1:
            cd = jnp.where(eq & (ci == am), jnp.float32(BIG), cd)


def _topk_tc(queries, keys):
    qn, d = queries.shape
    kreal = keys.shape[0]
    nb = (kreal + KB - 1) // KB
    kpad = nb * KB
    if kpad != kreal:
        keys = jnp.pad(keys, ((0, kpad - kreal), (0, 0)))

    cand_d, cand_i = pl.pallas_call(
        functools.partial(_stage_a_body, kreal),
        grid=(nb,),
        in_specs=[
            pl.BlockSpec((KB, d), lambda b: (b, 0)),
            pl.BlockSpec((d, qn), lambda b: (0, 0)),
        ],
        out_specs=[
            pl.BlockSpec((1, TPAD, qn), lambda b: (b, 0, 0)),
            pl.BlockSpec((1, TPAD, qn), lambda b: (b, 0, 0)),
        ],
        out_shape=[
            jax.ShapeDtypeStruct((nb, TPAD, qn), jnp.float32),
            jax.ShapeDtypeStruct((nb, TPAD, qn), jnp.int32),
        ],
        compiler_params=pltpu.CompilerParams(
            dimension_semantics=("parallel",)),
    )(keys, queries.T)

    od, oi = pl.pallas_call(
        _stage_b_body,
        out_shape=[
            jax.ShapeDtypeStruct((TOPK, qn), jnp.float32),
            jax.ShapeDtypeStruct((TOPK, qn), jnp.int32),
        ],
    )(cand_d, cand_i)
    return od.T, oi.T


def _gather_mean_sc(values, idx_flat, qn):
    info = plsc.get_sparse_core_info()
    nc, ns = info.num_cores, info.num_subcores
    nw = nc * ns
    d = values.shape[1]
    qpw = qn // nw
    rpw = qpw * TOPK
    mesh = plsc.VectorSubcoreMesh(core_axis_name="c", subcore_axis_name="s")

    @functools.partial(
        pl.kernel, mesh=mesh,
        out_type=jax.ShapeDtypeStruct((qn, d), jnp.float32),
        scratch_types=[
            pltpu.VMEM((rpw,), jnp.int32),
            pltpu.VMEM((rpw, d), jnp.float32),
            pltpu.VMEM((qpw, d), jnp.float32),
            pltpu.SemaphoreType.DMA,
        ],
    )
    def gather_kernel(values_hbm, idx_hbm, out_hbm, idx_v, rows_v, acc_v, sem):
        wid = lax.axis_index("s") * nc + lax.axis_index("c")
        pltpu.sync_copy(idx_hbm.at[pl.ds(wid * rpw, rpw)], idx_v)
        pltpu.async_copy(values_hbm.at[idx_v], rows_v, sem).wait()

        def body(qi, _):
            for c in range(d // 16):
                sl = pl.ds(c * 16, 16)
                acc = rows_v[qi * TOPK, sl]
                for j in range(1, TOPK):
                    acc = acc + rows_v[qi * TOPK + j, sl]
                acc_v[qi, sl] = acc * jnp.float32(1.0 / TOPK)
            return 0

        lax.fori_loop(0, qpw, body, 0)
        pltpu.sync_copy(acc_v, out_hbm.at[pl.ds(wid * qpw, qpw)])

    return gather_kernel(values, idx_flat)


def kernel(queries, keys, values, k):
    topk_d, topk_i = _topk_tc(queries, keys)
    retrieved = _gather_mean_sc(values, topk_i.reshape(-1), queries.shape[0])
    idx = topk_i + (k - TOPK)
    return retrieved, topk_d, idx

# --- scband reference (transcript-rebuilt; emitter-appended) ---
"""Pipeline reference for scband-nnbaseline-model-26903675142680 (READ-ONLY COPY).

The authoritative reference and input builder live on the scoring server;
editing this copy changes nothing except your own understanding.
"""

import jax, jax.numpy as jnp
import numpy as np

Q = 1024
K = 100000
D = 128
TOP_K = 5

def setup_inputs(seed: int = 0) -> dict:
    key = jax.random.key(seed)
    kq, kk, kv = jax.random.split(key, 3)
    queries = jax.random.normal(kq, (Q, D), dtype=jnp.float32)
    keys = jax.random.normal(kk, (K, D), dtype=jnp.float32)
    values = jax.random.normal(kv, (K, D), dtype=jnp.float32)
    return {"queries": queries, "keys": keys, "values": values, "k": TOP_K}

def reference(queries, keys, values, k):
    # Faithful KNN retrieval a la faiss.IndexFlatL2: exact squared-L2 distances,
    # top-k nearest reference rows, then gather target params and average over neighbors
    # (mirrors NNBaselineModel retrieving target person's SMPL params from ref split).
    q_sq = jnp.sum(queries * queries, axis=1, keepdims=True)          # [Q, 1]
    k_sq = jnp.sum(keys * keys, axis=1)                               # [K]
    dists = q_sq + k_sq[None, :] - 2.0 * (queries @ keys.T)          # [Q, K]
    neg_top, idx = jax.lax.top_k(-dists, TOP_K)                       # smallest k distances
    idx = idx + (k - TOP_K)
    topk_dists = -neg_top                                             # [Q, k]
    gathered = jnp.take(values, idx, axis=0)                          # [Q, k, D]
    retrieved = jnp.mean(gathered, axis=1)                            # [Q, D]
    return retrieved, topk_dists, idx

if __name__ == "__main__":
    import jax
    _d = setup_inputs()
    print(jax.jit(kernel)(*tuple(_d.values())))

</pallas_src>

<mosaic_0001>
#map = affine_map<(d0, d1) -> (0, 0)>
#map1 = affine_map<(d0, d1) -> (0)>
module attributes {stable_mosaic.version = 14 : i64} {
  func.func @gather_kernel(%arg0: i32, %arg1: i32, %arg2: memref<100000x128xf32, #tpu.memory_space<hbm>>, %arg3: memref<5120xi32, #tpu.memory_space<hbm>>, %arg4: memref<1024x128xf32, #tpu.memory_space<hbm>>, %arg5: memref<160xi32, #tpu.memory_space<vmem>>, %arg6: memref<160x128xf32, #tpu.memory_space<vmem>>, %arg7: memref<32x128xf32, #tpu.memory_space<vmem>>, %arg8: memref<!tpu.dma_semaphore, #tpu.memory_space<semaphore_mem>>) attributes {dimension_semantics = [#tpu.dimension_semantics<core_parallel>, #tpu.dimension_semantics<subcore_parallel>], iteration_bounds = array<i64: 2, 16>, scalar_prefetch = 0 : i64, scratch_operands = 4 : i64, tpu.core_type = #tpu.core_type<sc_vector_subcore>, window_params = [{transform_indices = #map}, {transform_indices = #map1}, {transform_indices = #map}]} {
    %mul3A = arith.constant 2 : i32
    %mul3A_0 = arith.muli %arg1, %mul3A : i32
    %add3A = arith.addi %mul3A_0, %arg0 : i32
    %mul3A_1 = arith.constant 160 : i32
    %mul3A_2 = arith.muli %add3A, %mul3A_1 : i32
    "tpu.region"() ({
      %run_scoped3A = tpu.sem_alloc : memref<!tpu.dma_semaphore, #tpu.memory_space<semaphore_mem>>
      %dma_start3A_15 = tpu.memref_slice %arg3[%mul3A_2] : memref<5120xi32, #tpu.memory_space<hbm>> -> memref<160xi32, #tpu.memory_space<hbm>>
      %dma_start3A_16 = tpu.memref_slice %arg3[%mul3A_2] : memref<5120xi32, #tpu.memory_space<hbm>> -> memref<160xi32, #tpu.memory_space<hbm>>
      tpu.enqueue_dma source(%dma_start3A_16 : memref<160xi32, #tpu.memory_space<hbm>>) target(%arg5 : memref<160xi32, #tpu.memory_space<vmem>>) target_semaphore(%run_scoped3A : memref<!tpu.dma_semaphore, #tpu.memory_space<semaphore_mem>>)
      %dma_wait3A_17 = tpu.memref_slice %arg3[%mul3A_2] : memref<5120xi32, #tpu.memory_space<hbm>> -> memref<160xi32, #tpu.memory_space<hbm>>
      %dma_wait3A_18 = tpu.memref_slice %arg3[%mul3A_2] : memref<5120xi32, #tpu.memory_space<hbm>> -> memref<160xi32, #tpu.memory_space<hbm>>
      tpu.wait_dma2 semaphore(%run_scoped3A : memref<!tpu.dma_semaphore, #tpu.memory_space<semaphore_mem>>) src(%dma_wait3A_18 : memref<160xi32, #tpu.memory_space<hbm>>) dst(%arg5 : memref<160xi32, #tpu.memory_space<vmem>>)
      tpu.yield
    }) : () -> ()
    %dma_start3A = arith.constant 0 : i32
    %dma_start3A_3 = arith.constant 0 : i32
    %dma_start3A_4 = tpu.memref_slice %arg2[%dma_start3A, %dma_start3A_3] : memref<100000x128xf32, #tpu.memory_space<hbm>> -> memref<100000x128xf32, #tpu.memory_space<hbm>>
    tpu.enqueue_indirect_dma source(%dma_start3A_4 : memref<100000x128xf32, #tpu.memory_space<hbm>>) target(%arg6 : memref<160x128xf32, #tpu.memory_space<vmem>>) offsets(%arg5 : memref<160xi32, #tpu.memory_space<vmem>>) semaphore(%arg8 : memref<!tpu.dma_semaphore, #tpu.memory_space<semaphore_mem>>)
    %dma_wait3A = arith.constant 0 : i32
    %dma_wait3A_5 = arith.constant 0 : i32
    %dma_wait3A_6 = tpu.memref_slice %arg2[%dma_wait3A, %dma_wait3A_5] : memref<100000x128xf32, #tpu.memory_space<hbm>> -> memref<100000x128xf32, #tpu.memory_space<hbm>>
    tpu.wait_indirect_dma semaphore(%arg8 : memref<!tpu.dma_semaphore, #tpu.memory_space<semaphore_mem>>) src(%dma_wait3A_6 : memref<100000x128xf32, #tpu.memory_space<hbm>>) dst(%arg6 : memref<160x128xf32, #tpu.memory_space<vmem>>)
    %scan3A = arith.constant 0 : i32
    %scan3A_7 = arith.constant 0 : i32
    %scan3A_8 = arith.constant 32 : i32
    %scan3A_9 = arith.addi %scan3A_7, %scan3A_8 : i32
    %scan3A_10 = arith.constant 1 : i32
    %scan3A_11 = scf.for %scan3A_15 = %scan3A_7 to %scan3A_9 step %scan3A_10 iter_args(%scan3A_16 = %scan3A) -> (i32)  : i32 {
      %mul3A_17 = arith.constant 5 : i32
      %mul3A_18 = arith.muli %scan3A_15, %mul3A_17 : i32
      %get3A = arith.index_cast %mul3A_18 : i32 to index
      %get3A_19 = arith.constant 0 : index
      %get3A_20 = tpu.vector_load %arg6[%get3A, %get3A_19] {strides = array<i32>} : memref<160x128xf32, #tpu.memory_space<vmem>>, vector<1x16xf32>,
      %get3A_21 = vector.shape_cast %get3A_20 : vector<1x16xf32> to vector<16xf32>
      %mul3A_22 = arith.constant 5 : i32
      %mul3A_23 = arith.muli %scan3A_15, %mul3A_22 : i32
      %add3A_24 = arith.constant 1 : i32
      %add3A_25 = arith.addi %mul3A_23, %add3A_24 : i32
      %get3A_26 = arith.index_cast %add3A_25 : i32 to index
      %get3A_27 = arith.constant 0 : index
      %get3A_28 = tpu.vector_load %arg6[%get3A_26, %get3A_27] {strides = array<i32>} : memref<160x128xf32, #tpu.memory_space<vmem>>, vector<1x16xf32>,
      %get3A_29 = vector.shape_cast %get3A_28 : vector<1x16xf32> to vector<16xf32>
      %add3A_30 = arith.addf %get3A_21, %get3A_29 : vector<16xf32>
      %mul3A_31 = arith.constant 5 : i32
      %mul3A_32 = arith.muli %scan3A_15, %mul3A_31 : i32
      %add3A_33 = arith.constant 2 : i32
      %add3A_34 = arith.addi %mul3A_32, %add3A_33 : i32
      %get3A_35 = arith.index_cast %add3A_34 : i32 to index
      %get3A_36 = arith.constant 0 : index
      %get3A_37 = tpu.vector_load %arg6[%get3A_35, %get3A_36] {strides = array<i32>} : memref<160x128xf32, #tpu.memory_space<vmem>>, vector<1x16xf32>,
      %get3A_38 = vector.shape_cast %get3A_37 : vector<1x16xf32> to vector<16xf32>
      %add3A_39 = arith.addf %add3A_30, %get3A_38 : vector<16xf32>
      %mul3A_40 = arith.constant 5 : i32
      %mul3A_41 = arith.muli %scan3A_15, %mul3A_40 : i32
      %add3A_42 = arith.constant 3 : i32
      %add3A_43 = arith.addi %mul3A_41, %add3A_42 : i32
      %get3A_44 = arith.index_cast %add3A_43 : i32 to index
      %get3A_45 = arith.constant 0 : index
      %get3A_46 = tpu.vector_load %arg6[%get3A_44, %get3A_45] {strides = array<i32>} : memref<160x128xf32, #tpu.memory_space<vmem>>, vector<1x16xf32>,
      %get3A_47 = vector.shape_cast %get3A_46 : vector<1x16xf32> to vector<16xf32>
      %add3A_48 = arith.addf %add3A_39, %get3A_47 : vector<16xf32>
      %mul3A_49 = arith.constant 5 : i32
      %mul3A_50 = arith.muli %scan3A_15, %mul3A_49 : i32
      %add3A_51 = arith.constant 4 : i32
      %add3A_52 = arith.addi %mul3A_50, %add3A_51 : i32
      %get3A_53 = arith.index_cast %add3A_52 : i32 to index
      %get3A_54 = arith.constant 0 : index
      %get3A_55 = tpu.vector_load %arg6[%get3A_53, %get3A_54] {strides = array<i32>} : memref<160x128xf32, #tpu.memory_space<vmem>>, vector<1x16xf32>,
      %get3A_56 = vector.shape_cast %get3A_55 : vector<1x16xf32> to vector<16xf32>
      %add3A_57 = arith.addf %add3A_48, %get3A_56 : vector<16xf32>
      %mul3A_58 = arith.constant 2.000000e-01 : f32
      %mul3A_59 = vector.broadcast %mul3A_58 : f32 to vector<16xf32>
      %mul3A_60 = arith.mulf %add3A_57, %mul3A_59 : vector<16xf32>
      %swap3A = arith.index_cast %scan3A_15 : i32 to index
      %swap3A_61 = arith.constant 0 : index
      %swap3A_62 = tpu.vector_load %arg7[%swap3A, %swap3A_61] {strides = array<i32>} : memref<32x128xf32, #tpu.memory_space<vmem>>, vector<1x16xf32>,
      %swap3A_63 = vector.shape_cast %swap3A_62 : vector<1x16xf32> to vector<16xf32>
      %swap3A_64 = vector.shape_cast %mul3A_60 : vector<16xf32> to vector<1x16xf32>
      tpu.vector_store %arg7[%swap3A, %swap3A_61], %swap3A_64 {strides = array<i32>} : memref<32x128xf32, #tpu.memory_space<vmem>>, vector<1x16xf32>,
      %mul3A_65 = arith.constant 5 : i32
      %mul3A_66 = arith.muli %scan3A_15, %mul3A_65 : i32
      %get3A_67 = arith.index_cast %mul3A_66 : i32 to index
      %get3A_68 = arith.constant 16 : index
      %get3A_69 = tpu.vector_load %arg6[%get3A_67, %get3A_68] {strides = array<i32>} : memref<160x128xf32, #tpu.memory_space<vmem>>, vector<1x16xf32>,
      %get3A_70 = vector.shape_cast %get3A_69 : vector<1x16xf32> to vector<16xf32>
      %mul3A_71 = arith.constant 5 : i32
      %mul3A_72 = arith.muli %scan3A_15, %mul3A_71 : i32
      %add3A_73 = arith.constant 1 : i32
      %add3A_74 = arith.addi %mul3A_72, %add3A_73 : i32
      %get3A_75 = arith.index_cast %add3A_74 : i32 to index
      %get3A_76 = arith.constant 16 : index
      %get3A_77 = tpu.vector_load %arg6[%get3A_75, %get3A_76] {strides = array<i32>} : memref<160x128xf32, #tpu.memory_space<vmem>>, vector<1x16xf32>,
      %get3A_78 = vector.shape_cast %get3A_77 : vector<1x16xf32> to vector<16xf32>
      %add3A_79 = arith.addf %get3A_70, %get3A_78 : vector<16xf32>
      %mul3A_80 = arith.constant 5 : i32
      %mul3A_81 = arith.muli %scan3A_15, %mul3A_80 : i32
      %add3A_82 = arith.constant 2 : i32
      %add3A_83 = arith.addi %mul3A_81, %add3A_82 : i32
      %get3A_84 = arith.index_cast %add3A_83 : i32 to index
      %get3A_85 = arith.constant 16 : index
      %get3A_86 = tpu.vector_load %arg6[%get3A_84, %get3A_85] {strides = array<i32>} : memref<160x128xf32, #tpu.memory_space<vmem>>, vector<1x16xf32>,
      %get3A_87 = vector.shape_cast %get3A_86 : vector<1x16xf32> to vector<16xf32>
      %add3A_88 = arith.addf %add3A_79, %get3A_87 : vector<16xf32>
      %mul3A_89 = arith.constant 5 : i32
      %mul3A_90 = arith.muli %scan3A_15, %mul3A_89 : i32
      %add3A_91 = arith.constant 3 : i32
      %add3A_92 = arith.addi %mul3A_90, %add3A_91 : i32
      %get3A_93 = arith.index_cast %add3A_92 : i32 to index
      %get3A_94 = arith.constant 16 : index
      %get3A_95 = tpu.vector_load %arg6[%get3A_93, %get3A_94] {strides = array<i32>} : memref<160x128xf32, #tpu.memory_space<vmem>>, vector<1x16xf32>,
      %get3A_96 = vector.shape_cast %get3A_95 : vector<1x16xf32> to vector<16xf32>
      %add3A_97 = arith.addf %add3A_88, %get3A_96 : vector<16xf32>
      %mul3A_98 = arith.constant 5 : i32
      %mul3A_99 = arith.muli %scan3A_15, %mul3A_98 : i32
      %add3A_100 = arith.constant 4 : i32
      %add3A_101 = arith.addi %mul3A_99, %add3A_100 : i32
      %get3A_102 = arith.index_cast %add3A_101 : i32 to index
      %get3A_103 = arith.constant 16 : index
      %get3A_104 = tpu.vector_load %arg6[%get3A_102, %get3A_103] {strides = array<i32>} : memref<160x128xf32, #tpu.memory_space<vmem>>, vector<1x16xf32>,
      %get3A_105 = vector.shape_cast %get3A_104 : vector<1x16xf32> to vector<16xf32>
      %add3A_106 = arith.addf %add3A_97, %get3A_105 : vector<16xf32>
      %mul3A_107 = arith.constant 2.000000e-01 : f32
      %mul3A_108 = vector.broadcast %mul3A_107 : f32 to vector<16xf32>
      %mul3A_109 = arith.mulf %add3A_106, %mul3A_108 : vector<16xf32>
      %swap3A_110 = arith.index_cast %scan3A_15 : i32 to index
      %swap3A_111 = arith.constant 16 : index
      %swap3A_112 = tpu.vector_load %arg7[%swap3A_110, %swap3A_111] {strides = array<i32>} : memref<32x128xf32, #tpu.memory_space<vmem>>, vector<1x16xf32>,
      %swap3A_113 = vector.shape_cast %swap3A_112 : vector<1x16xf32> to vector<16xf32>
      %swap3A_114 = vector.shape_cast %mul3A_109 : vector<16xf32> to vector<1x16xf32>
      tpu.vector_store %arg7[%swap3A_110, %swap3A_111], %swap3A_114 {strides = array<i32>} : memref<32x128xf32, #tpu.memory_space<vmem>>, vector<1x16xf32>,
      %mul3A_115 = arith.constant 5 : i32
      %mul3A_116 = arith.muli %scan3A_15, %mul3A_115 : i32
      %get3A_117 = arith.index_cast %mul3A_116 : i32 to index
      %get3A_118 = arith.constant 32 : index
      %get3A_119 = tpu.vector_load %arg6[%get3A_117, %get3A_118] {strides = array<i32>} : memref<160x128xf32, #tpu.memory_space<vmem>>, vector<1x16xf32>,
      %get3A_120 = vector.shape_cast %get3A_119 : vector<1x16xf32> to vector<16xf32>
      %mul3A_121 = arith.constant 5 : i32
      %mul3A_122 = arith.muli %scan3A_15, %mul3A_121 : i32
      %add3A_123 = arith.constant 1 : i32
      %add3A_124 = arith.addi %mul3A_122, %add3A_123 : i32
      %get3A_125 = arith.index_cast %add3A_124 : i32 to index
      %get3A_126 = arith.constant 32 : index
      %get3A_127 = tpu.vector_load %arg6[%get3A_125, %get3A_126] {strides = array<i32>} : memref<160x128xf32, #tpu.memory_space<vmem>>, vector<1x16xf32>,
      %get3A_128 = vector.shape_cast %get3A_127 : vector<1x16xf32> to vector<16xf32>
      %add3A_129 = arith.addf %get3A_120, %get3A_128 : vector<16xf32>
      %mul3A_130 = arith.constant 5 : i32
      %mul3A_131 = arith.muli %scan3A_15, %mul3A_130 : i32
      %add3A_132 = arith.constant 2 : i32
      %add3A_133 = arith.addi %mul3A_131, %add3A_132 : i32
      %get3A_134 = arith.index_cast %add3A_133 : i32 to index
      %get3A_135 = arith.constant 32 : index
      %get3A_136 = tpu.vector_load %arg6[%get3A_134, %get3A_135] {strides = array<i32>} : memref<160x128xf32, #tpu.memory_space<vmem>>, vector<1x16xf32>,
      %get3A_137 = vector.shape_cast %get3A_136 : vector<1x16xf32> to vector<16xf32>
      %add3A_138 = arith.addf %add3A_129, %get3A_137 : vector<16xf32>
      %mul3A_139 = arith.constant 5 : i32
      %mul3A_140 = arith.muli %scan3A_15, %mul3A_139 : i32
      %add3A_141 = arith.constant 3 : i32
      %add3A_142 = arith.addi %mul3A_140, %add3A_141 : i32
      %get3A_143 = arith.index_cast %add3A_142 : i32 to index
      %get3A_144 = arith.constant 32 : index
      %get3A_145 = tpu.vector_load %arg6[%get3A_143, %get3A_144] {strides = array<i32>} : memref<160x128xf32, #tpu.memory_space<vmem>>, vector<1x16xf32>,
      %get3A_146 = vector.shape_cast %get3A_145 : vector<1x16xf32> to vector<16xf32>
      %add3A_147 = arith.addf %add3A_138, %get3A_146 : vector<16xf32>
      %mul3A_148 = arith.constant 5 : i32
      %mul3A_149 = arith.muli %scan3A_15, %mul3A_148 : i32
      %add3A_150 = arith.constant 4 : i32
      %add3A_151 = arith.addi %mul3A_149, %add3A_150 : i32
      %get3A_152 = arith.index_cast %add3A_151 : i32 to index
      %get3A_153 = arith.constant 32 : index
      %get3A_154 = tpu.vector_load %arg6[%get3A_152, %get3A_153] {strides = array<i32>} : memref<160x128xf32, #tpu.memory_space<vmem>>, vector<1x16xf32>,
      %get3A_155 = vector.shape_cast %get3A_154 : vector<1x16xf32> to vector<16xf32>
      %add3A_156 = arith.addf %add3A_147, %get3A_155 : vector<16xf32>
      %mul3A_157 = arith.constant 2.000000e-01 : f32
      %mul3A_158 = vector.broadcast %mul3A_157 : f32 to vector<16xf32>
      %mul3A_159 = arith.mulf %add3A_156, %mul3A_158 : vector<16xf32>
      %swap3A_160 = arith.index_cast %scan3A_15 : i32 to index
      %swap3A_161 = arith.constant 32 : index
      %swap3A_162 = tpu.vector_load %arg7[%swap3A_160, %swap3A_161] {strides = array<i32>} : memref<32x128xf32, #tpu.memory_space<vmem>>, vector<1x16xf32>,
      %swap3A_163 = vector.shape_cast %swap3A_162 : vector<1x16xf32> to vector<16xf32>
      %swap3A_164 = vector.shape_cast %mul3A_159 : vector<16xf32> to vector<1x16xf32>
      tpu.vector_store %arg7[%swap3A_160, %swap3A_161], %swap3A_164 {strides = array<i32>} : memref<32x128xf32, #tpu.memory_space<vmem>>, vector<1x16xf32>,
      %mul3A_165 = arith.constant 5 : i32
      %mul3A_166 = arith.muli %scan3A_15, %mul3A_165 : i32
      %get3A_167 = arith.index_cast %mul3A_166 : i32 to index
      %get3A_168 = arith.constant 48 : index
      %get3A_169 = tpu.vector_load %arg6[%get3A_167, %get3A_168] {strides = array<i32>} : memref<160x128xf32, #tpu.memory_space<vmem>>, vector<1x16xf32>,
      %get3A_170 = vector.shape_cast %get3A_169 : vector<1x16xf32> to vector<16xf32>
      %mul3A_171 = arith.constant 5 : i32
      %mul3A_172 = arith.muli %scan3A_15, %mul3A_171 : i32
      %add3A_173 = arith.constant 1 : i32
      %add3A_174 = arith.addi %mul3A_172, %add3A_173 : i32
      %get3A_175 = arith.index_cast %add3A_174 : i32 to index
      %get3A_176 = arith.constant 48 : index
      %get3A_177 = tpu.vector_load %arg6[%get3A_175, %get3A_176] {strides = array<i32>} : memref<160x128xf32, #tpu.memory_space<vmem>>, vector<1x16xf32>,
      %get3A_178 = vector.shape_cast %get3A_177 : vector<1x16xf32> to vector<16xf32>
      %add3A_179 = arith.addf %get3A_170, %get3A_178 : vector<16xf32>
      %mul3A_180 = arith.constant 5 : i32
      %mul3A_181 = arith.muli %scan3A_15, %mul3A_180 : i32
      %add3A_182 = arith.constant 2 : i32
      %add3A_183 = arith.addi %mul3A_181, %add3A_182 : i32
      %get3A_184 = arith.index_cast %add3A_183 : i32 to index
      %get3A_185 = arith.constant 48 : index
      %get3A_186 = tpu.vector_load %arg6[%get3A_184, %get3A_185] {strides = array<i32>} : memref<160x128xf32, #tpu.memory_space<vmem>>, vector<1x16xf32>,
      %get3A_187 = vector.shape_cast %get3A_186 : vector<1x16xf32> to vector<16xf32>
      %add3A_188 = arith.addf %add3A_179, %get3A_187 : vector<16xf32>
      %mul3A_189 = arith.constant 5 : i32
      %mul3A_190 = arith.muli %scan3A_15, %mul3A_189 : i32
      %add3A_191 = arith.constant 3 : i32
      %add3A_192 = arith.addi %mul3A_190, %add3A_191 : i32
      %get3A_193 = arith.index_cast %add3A_192 : i32 to index
      %get3A_194 = arith.constant 48 : index
      %get3A_195 = tpu.vector_load %arg6[%get3A_193, %get3A_194] {strides = array<i32>} : memref<160x128xf32, #tpu.memory_space<vmem>>, vector<1x16xf32>,
      %get3A_196 = vector.shape_cast %get3A_195 : vector<1x16xf32> to vector<16xf32>
      %add3A_197 = arith.addf %add3A_188, %get3A_196 : vector<16xf32>
      %mul3A_198 = arith.constant 5 : i32
      %mul3A_199 = arith.muli %scan3A_15, %mul3A_198 : i32
      %add3A_200 = arith.constant 4 : i32
      %add3A_201 = arith.addi %mul3A_199, %add3A_200 : i32
      %get3A_202 = arith.index_cast %add3A_201 : i32 to index
      %get3A_203 = arith.constant 48 : index
      %get3A_204 = tpu.vector_load %arg6[%get3A_202, %get3A_203] {strides = array<i32>} : memref<160x128xf32, #tpu.memory_space<vmem>>, vector<1x16xf32>,
      %get3A_205 = vector.shape_cast %get3A_204 : vector<1x16xf32> to vector<16xf32>
      %add3A_206 = arith.addf %add3A_197, %get3A_205 : vector<16xf32>
      %mul3A_207 = arith.constant 2.000000e-01 : f32
      %mul3A_208 = vector.broadcast %mul3A_207 : f32 to vector<16xf32>
      %mul3A_209 = arith.mulf %add3A_206, %mul3A_208 : vector<16xf32>
      %swap3A_210 = arith.index_cast %scan3A_15 : i32 to index
      %swap3A_211 = arith.constant 48 : index
      %swap3A_212 = tpu.vector_load %arg7[%swap3A_210, %swap3A_211] {strides = array<i32>} : memref<32x128xf32, #tpu.memory_space<vmem>>, vector<1x16xf32>,
      %swap3A_213 = vector.shape_cast %swap3A_212 : vector<1x16xf32> to vector<16xf32>
      %swap3A_214 = vector.shape_cast %mul3A_209 : vector<16xf32> to vector<1x16xf32>
      tpu.vector_store %arg7[%swap3A_210, %swap3A_211], %swap3A_214 {strides = array<i32>} : memref<32x128xf32, #tpu.memory_space<vmem>>, vector<1x16xf32>,
      %mul3A_215 = arith.constant 5 : i32
      %mul3A_216 = arith.muli %scan3A_15, %mul3A_215 : i32
      %get3A_217 = arith.index_cast %mul3A_216 : i32 to index
      %get3A_218 = arith.constant 64 : index
      %get3A_219 = tpu.vector_load %arg6[%get3A_217, %get3A_218] {strides = array<i32>} : memref<160x128xf32, #tpu.memory_space<vmem>>, vector<1x16xf32>,
      %get3A_220 = vector.shape_cast %get3A_219 : vector<1x16xf32> to vector<16xf32>
      %mul3A_221 = arith.constant 5 : i32
      %mul3A_222 = arith.muli %scan3A_15, %mul3A_221 : i32
      %add3A_223 = arith.constant 1 : i32
      %add3A_224 = arith.addi %mul3A_222, %add3A_223 : i32
      %get3A_225 = arith.index_cast %add3A_224 : i32 to index
      %get3A_226 = arith.constant 64 : index
      %get3A_227 = tpu.vector_load %arg6[%get3A_225, %get3A_226] {strides = array<i32>} : memref<160x128xf32, #tpu.memory_space<vmem>>, vector<1x16xf32>,
      %get3A_228 = vector.shape_cast %get3A_227 : vector<1x16xf32> to vector<16xf32>
      %add3A_229 = arith.addf %get3A_220, %get3A_228 : vector<16xf32>
      %mul3A_230 = arith.constant 5 : i32
      %mul3A_231 = arith.muli %scan3A_15, %mul3A_230 : i32
      %add3A_232 = arith.constant 2 : i32
      %add3A_233 = arith.addi %mul3A_231, %add3A_232 : i32
      %get3A_234 = arith.index_cast %add3A_233 : i32 to index
      %get3A_235 = arith.constant 64 : index
      %get3A_236 = tpu.vector_load %arg6[%get3A_234, %get3A_235] {strides = array<i32>} : memref<160x128xf32, #tpu.memory_space<vmem>>, vector<1x16xf32>,
      %get3A_237 = vector.shape_cast %get3A_236 : vector<1x16xf32> to vector<16xf32>
      %add3A_238 = arith.addf %add3A_229, %get3A_237 : vector<16xf32>
      %mul3A_239 = arith.constant 5 : i32
      %mul3A_240 = arith.muli %scan3A_15, %mul3A_239 : i32
      %add3A_241 = arith.constant 3 : i32
      %add3A_242 = arith.addi %mul3A_240, %add3A_241 : i32
      %get3A_243 = arith.index_cast %add3A_242 : i32 to index
      %get3A_244 = arith.constant 64 : index
      %get3A_245 = tpu.vector_load %arg6[%get3A_243, %get3A_244] {strides = array<i32>} : memref<160x128xf32, #tpu.memory_space<vmem>>, vector<1x16xf32>,
      %get3A_246 = vector.shape_cast %get3A_245 : vector<1x16xf32> to vector<16xf32>
      %add3A_247 = arith.addf %add3A_238, %get3A_246 : vector<16xf32>
      %mul3A_248 = arith.constant 5 : i32
      %mul3A_249 = arith.muli %scan3A_15, %mul3A_248 : i32
      %add3A_250 = arith.constant 4 : i32
      %add3A_251 = arith.addi %mul3A_249, %add3A_250 : i32
      %get3A_252 = arith.index_cast %add3A_251 : i32 to index
      %get3A_253 = arith.constant 64 : index
      %get3A_254 = tpu.vector_load %arg6[%get3A_252, %get3A_253] {strides = array<i32>} : memref<160x128xf32, #tpu.memory_space<vmem>>, vector<1x16xf32>,
      %get3A_255 = vector.shape_cast %get3A_254 : vector<1x16xf32> to vector<16xf32>
      %add3A_256 = arith.addf %add3A_247, %get3A_255 : vector<16xf32>
      %mul3A_257 = arith.constant 2.000000e-01 : f32
      %mul3A_258 = vector.broadcast %mul3A_257 : f32 to vector<16xf32>
      %mul3A_259 = arith.mulf %add3A_256, %mul3A_258 : vector<16xf32>
      %swap3A_260 = arith.index_cast %scan3A_15 : i32 to index
      %swap3A_261 = arith.constant 64 : index
      %swap3A_262 = tpu.vector_load %arg7[%swap3A_260, %swap3A_261] {strides = array<i32>} : memref<32x128xf32, #tpu.memory_space<vmem>>, vector<1x16xf32>,
      %swap3A_263 = vector.shape_cast %swap3A_262 : vector<1x16xf32> to vector<16xf32>
      %swap3A_264 = vector.shape_cast %mul3A_259 : vector<16xf32> to vector<1x16xf32>
      tpu.vector_store %arg7[%swap3A_260, %swap3A_261], %swap3A_264 {strides = array<i32>} : memref<32x128xf32, #tpu.memory_space<vmem>>, vector<1x16xf32>,
      %mul3A_265 = arith.constant 5 : i32
      %mul3A_266 = arith.muli %scan3A_15, %mul3A_265 : i32
      %get3A_267 = arith.index_cast %mul3A_266 : i32 to index
      %get3A_268 = arith.constant 80 : index
      %get3A_269 = tpu.vector_load %arg6[%get3A_267, %get3A_268] {strides = array<i32>} : memref<160x128xf32, #tpu.memory_space<vmem>>, vector<1x16xf32>,
      %get3A_270 = vector.shape_cast %get3A_269 : vector<1x16xf32> to vector<16xf32>
      %mul3A_271 = arith.constant 5 : i32
      %mul3A_272 = arith.muli %scan3A_15, %mul3A_271 : i32
      %add3A_273 = arith.constant 1 : i32
      %add3A_274 = arith.addi %mul3A_272, %add3A_273 : i32
      %get3A_275 = arith.index_cast %add3A_274 : i32 to index
      %get3A_276 = arith.constant 80 : index
      %get3A_277 = tpu.vector_load %arg6[%get3A_275, %get3A_276] {strides = array<i32>} : memref<160x128xf32, #tpu.memory_space<vmem>>, vector<1x16xf32>,
      %get3A_278 = vector.shape_cast %get3A_277 : vector<1x16xf32> to vector<16xf32>
      %add3A_279 = arith.addf %get3A_270, %get3A_278 : vector<16xf32>
      %mul3A_280 = arith.constant 5 : i32
      %mul3A_281 = arith.muli %scan3A_15, %mul3A_280 : i32
      %add3A_282 = arith.constant 2 : i32
      %add3A_283 = arith.addi %mul3A_281, %add3A_282 : i32
      %get3A_284 = arith.index_cast %add3A_283 : i32 to index
      %get3A_285 = arith.constant 80 : index
      %get3A_286 = tpu.vector_load %arg6[%get3A_284, %get3A_285] {strides = array<i32>} : memref<160x128xf32, #tpu.memory_space<vmem>>, vector<1x16xf32>,
      %get3A_287 = vector.shape_cast %get3A_286 : vector<1x16xf32> to vector<16xf32>
      %add3A_288 = arith.addf %add3A_279, %get3A_287 : vector<16xf32>
      %mul3A_289 = arith.constant 5 : i32
      %mul3A_290 = arith.muli %scan3A_15, %mul3A_289 : i32
      %add3A_291 = arith.constant 3 : i32
      %add3A_292 = arith.addi %mul3A_290, %add3A_291 : i32
      %get3A_293 = arith.index_cast %add3A_292 : i32 to index
      %get3A_294 = arith.constant 80 : index
      %get3A_295 = tpu.vector_load %arg6[%get3A_293, %get3A_294] {strides = array<i32>} : memref<160x128xf32, #tpu.memory_space<vmem>>, vector<1x16xf32>,
      %get3A_296 = vector.shape_cast %get3A_295 : vector<1x16xf32> to vector<16xf32>
      %add3A_297 = arith.addf %add3A_288, %get3A_296 : vector<16xf32>
      %mul3A_298 = arith.constant 5 : i32
      %mul3A_299 = arith.muli %scan3A_15, %mul3A_298 : i32
      %add3A_300 = arith.constant 4 : i32
      %add3A_301 = arith.addi %mul3A_299, %add3A_300 : i32
      %get3A_302 = arith.index_cast %add3A_301 : i32 to index
      %get3A_303 = arith.constant 80 : index
      %get3A_304 = tpu.vector_load %arg6[%get3A_302, %get3A_303] {strides = array<i32>} : memref<160x128xf32, #tpu.memory_space<vmem>>, vector<1x16xf32>,
      %get3A_305 = vector.shape_cast %get3A_304 : vector<1x16xf32> to vector<16xf32>
      %add3A_306 = arith.addf %add3A_297, %get3A_305 : vector<16xf32>
      %mul3A_307 = arith.constant 2.000000e-01 : f32
      %mul3A_308 = vector.broadcast %mul3A_307 : f32 to vector<16xf32>
      %mul3A_309 = arith.mulf %add3A_306, %mul3A_308 : vector<16xf32>
      %swap3A_310 = arith.index_cast %scan3A_15 : i32 to index
      %swap3A_311 = arith.constant 80 : index
      %swap3A_312 = tpu.vector_load %arg7[%swap3A_310, %swap3A_311] {strides = array<i32>} : memref<32x128xf32, #tpu.memory_space<vmem>>, vector<1x16xf32>,
      %swap3A_313 = vector.shape_cast %swap3A_312 : vector<1x16xf32> to vector<16xf32>
      %swap3A_314 = vector.shape_cast %mul3A_309 : vector<16xf32> to vector<1x16xf32>
      tpu.vector_store %arg7[%swap3A_310, %swap3A_311], %swap3A_314 {strides = array<i32>} : memref<32x128xf32, #tpu.memory_space<vmem>>, vector<1x16xf32>,
      %mul3A_315 = arith.constant 5 : i32
      %mul3A_316 = arith.muli %scan3A_15, %mul3A_315 : i32
      %get3A_317 = arith.index_cast %mul3A_316 : i32 to index
      %get3A_318 = arith.constant 96 : index
      %get3A_319 = tpu.vector_load %arg6[%get3A_317, %get3A_318] {strides = array<i32>} : memref<160x128xf32, #tpu.memory_space<vmem>>, vector<1x16xf32>,
      %get3A_320 = vector.shape_cast %get3A_319 : vector<1x16xf32> to vector<16xf32>
      %mul3A_321 = arith.constant 5 : i32
      %mul3A_322 = arith.muli %scan3A_15, %mul3A_321 : i32
      %add3A_323 = arith.constant 1 : i32
      %add3A_324 = arith.addi %mul3A_322, %add3A_323 : i32
      %get3A_325 = arith.index_cast %add3A_324 : i32 to index
      %get3A_326 = arith.constant 96 : index
      %get3A_327 = tpu.vector_load %arg6[%get3A_325, %get3A_326] {strides = array<i32>} : memref<160x128xf32, #tpu.memory_space<vmem>>, vector<1x16xf32>,
      %get3A_328 = vector.shape_cast %get3A_327 : vector<1x16xf32> to vector<16xf32>
      %add3A_329 = arith.addf %get3A_320, %get3A_328 : vector<16xf32>
      %mul3A_330 = arith.constant 5 : i32
      %mul3A_331 = arith.muli %scan3A_15, %mul3A_330 : i32
      %add3A_332 = arith.constant 2 : i32
      %add3A_333 = arith.addi %mul3A_331, %add3A_332 : i32
      %get3A_334 = arith.index_cast %add3A_333 : i32 to index
      %get3A_335 = arith.constant 96 : index
      %get3A_336 = tpu.vector_load %arg6[%get3A_334, %get3A_335] {strides = array<i32>} : memref<160x128xf32, #tpu.memory_space<vmem>>, vector<1x16xf32>,
      %get3A_337 = vector.shape_cast %get3A_336 : vector<1x16xf32> to vector<16xf32>
      %add3A_338 = arith.addf %add3A_329, %get3A_337 : vector<16xf32>
      %mul3A_339 = arith.constant 5 : i32
      %mul3A_340 = arith.muli %scan3A_15, %mul3A_339 : i32
      %add3A_341 = arith.constant 3 : i32
      %add3A_342 = arith.addi %mul3A_340, %add3A_341 : i32
      %get3A_343 = arith.index_cast %add3A_342 : i32 to index
      %get3A_344 = arith.constant 96 : index
      %get3A_345 = tpu.vector_load %arg6[%get3A_343, %get3A_344] {strides = array<i32>} : memref<160x128xf32, #tpu.memory_space<vmem>>, vector<1x16xf32>,
      %get3A_346 = vector.shape_cast %get3A_345 : vector<1x16xf32> to vector<16xf32>
      %add3A_347 = arith.addf %add3A_338, %get3A_346 : vector<16xf32>
      %mul3A_348 = arith.constant 5 : i32
      %mul3A_349 = arith.muli %scan3A_15, %mul3A_348 : i32
      %add3A_350 = arith.constant 4 : i32
      %add3A_351 = arith.addi %mul3A_349, %add3A_350 : i32
      %get3A_352 = arith.index_cast %add3A_351 : i32 to index
      %get3A_353 = arith.constant 96 : index
      %get3A_354 = tpu.vector_load %arg6[%get3A_352, %get3A_353] {strides = array<i32>} : memref<160x128xf32, #tpu.memory_space<vmem>>, vector<1x16xf32>,
      %get3A_355 = vector.shape_cast %get3A_354 : vector<1x16xf32> to vector<16xf32>
      %add3A_356 = arith.addf %add3A_347, %get3A_355 : vector<16xf32>
      %mul3A_357 = arith.constant 2.000000e-01 : f32
      %mul3A_358 = vector.broadcast %mul3A_357 : f32 to vector<16xf32>
      %mul3A_359 = arith.mulf %add3A_356, %mul3A_358 : vector<16xf32>
      %swap3A_360 = arith.index_cast %scan3A_15 : i32 to index
      %swap3A_361 = arith.constant 96 : index
      %swap3A_362 = tpu.vector_load %arg7[%swap3A_360, %swap3A_361] {strides = array<i32>} : memref<32x128xf32, #tpu.memory_space<vmem>>, vector<1x16xf32>,
      %swap3A_363 = vector.shape_cast %swap3A_362 : vector<1x16xf32> to vector<16xf32>
      %swap3A_364 = vector.shape_cast %mul3A_359 : vector<16xf32> to vector<1x16xf32>
      tpu.vector_store %arg7[%swap3A_360, %swap3A_361], %swap3A_364 {strides = array<i32>} : memref<32x128xf32, #tpu.memory_space<vmem>>, vector<1x16xf32>,
      %mul3A_365 = arith.constant 5 : i32
      %mul3A_366 = arith.muli %scan3A_15, %mul3A_365 : i32
      %get3A_367 = arith.index_cast %mul3A_366 : i32 to index
      %get3A_368 = arith.constant 112 : index
      %get3A_369 = tpu.vector_load %arg6[%get3A_367, %get3A_368] {strides = array<i32>} : memref<160x128xf32, #tpu.memory_space<vmem>>, vector<1x16xf32>,
      %get3A_370 = vector.shape_cast %get3A_369 : vector<1x16xf32> to vector<16xf32>
      %mul3A_371 = arith.constant 5 : i32
      %mul3A_372 = arith.muli %scan3A_15, %mul3A_371 : i32
      %add3A_373 = arith.constant 1 : i32
      %add3A_374 = arith.addi %mul3A_372, %add3A_373 : i32
      %get3A_375 = arith.index_cast %add3A_374 : i32 to index
      %get3A_376 = arith.constant 112 : index
      %get3A_377 = tpu.vector_load %arg6[%get3A_375, %get3A_376] {strides = array<i32>} : memref<160x128xf32, #tpu.memory_space<vmem>>, vector<1x16xf32>,
      %get3A_378 = vector.shape_cast %get3A_377 : vector<1x16xf32> to vector<16xf32>
      %add3A_379 = arith.addf %get3A_370, %get3A_378 : vector<16xf32>
      %mul3A_380 = arith.constant 5 : i32
      %mul3A_381 = arith.muli %scan3A_15, %mul3A_380 : i32
      %add3A_382 = arith.constant 2 : i32
      %add3A_383 = arith.addi %mul3A_381, %add3A_382 : i32
      %get3A_384 = arith.index_cast %add3A_383 : i32 to index
      %get3A_385 = arith.constant 112 : index
      %get3A_386 = tpu.vector_load %arg6[%get3A_384, %get3A_385] {strides = array<i32>} : memref<160x128xf32, #tpu.memory_space<vmem>>, vector<1x16xf32>,
      %get3A_387 = vector.shape_cast %get3A_386 : vector<1x16xf32> to vector<16xf32>
      %add3A_388 = arith.addf %add3A_379, %get3A_387 : vector<16xf32>
      %mul3A_389 = arith.constant 5 : i32
      %mul3A_390 = arith.muli %scan3A_15, %mul3A_389 : i32
      %add3A_391 = arith.constant 3 : i32
      %add3A_392 = arith.addi %mul3A_390, %add3A_391 : i32
      %get3A_393 = arith.index_cast %add3A_392 : i32 to index
      %get3A_394 = arith.constant 112 : index
      %get3A_395 = tpu.vector_load %arg6[%get3A_393, %get3A_394] {strides = array<i32>} : memref<160x128xf32, #tpu.memory_space<vmem>>, vector<1x16xf32>,
      %get3A_396 = vector.shape_cast %get3A_395 : vector<1x16xf32> to vector<16xf32>
      %add3A_397 = arith.addf %add3A_388, %get3A_396 : vector<16xf32>
      %mul3A_398 = arith.constant 5 : i32
      %mul3A_399 = arith.muli %scan3A_15, %mul3A_398 : i32
      %add3A_400 = arith.constant 4 : i32
      %add3A_401 = arith.addi %mul3A_399, %add3A_400 : i32
      %get3A_402 = arith.index_cast %add3A_401 : i32 to index
      %get3A_403 = arith.constant 112 : index
      %get3A_404 = tpu.vector_load %arg6[%get3A_402, %get3A_403] {strides = array<i32>} : memref<160x128xf32, #tpu.memory_space<vmem>>, vector<1x16xf32>,
      %get3A_405 = vector.shape_cast %get3A_404 : vector<1x16xf32> to vector<16xf32>
      %add3A_406 = arith.addf %add3A_397, %get3A_405 : vector<16xf32>
      %mul3A_407 = arith.constant 2.000000e-01 : f32
      %mul3A_408 = vector.broadcast %mul3A_407 : f32 to vector<16xf32>
      %mul3A_409 = arith.mulf %add3A_406, %mul3A_408 : vector<16xf32>
      %swap3A_410 = arith.index_cast %scan3A_15 : i32 to index
      %swap3A_411 = arith.constant 112 : index
      %swap3A_412 = tpu.vector_load %arg7[%swap3A_410, %swap3A_411] {strides = array<i32>} : memref<32x128xf32, #tpu.memory_space<vmem>>, vector<1x16xf32>,
      %swap3A_413 = vector.shape_cast %swap3A_412 : vector<1x16xf32> to vector<16xf32>
      %swap3A_414 = vector.shape_cast %mul3A_409 : vector<16xf32> to vector<1x16xf32>
      tpu.vector_store %arg7[%swap3A_410, %swap3A_411], %swap3A_414 {strides = array<i32>} : memref<32x128xf32, #tpu.memory_space<vmem>>, vector<1x16xf32>,
      %scan3A_415 = arith.constant 0 : i32
      scf.yield %scan3A_415 : i32
    }
    %scan3A_12 = arith.constant 32 : i32
    %mul3A_13 = arith.constant 32 : i32
    %mul3A_14 = arith.muli %add3A, %mul3A_13 : i32
    "tpu.region"() ({
      %run_scoped3A = tpu.sem_alloc : memref<!tpu.dma_semaphore, #tpu.memory_space<semaphore_mem>>
      %dma_start3A_15 = arith.constant 0 : i32
      %dma_start3A_16 = tpu.memref_slice %arg4[%mul3A_14, %dma_start3A_15] : memref<1024x128xf32, #tpu.memory_space<hbm>> -> memref<32x128xf32, #tpu.memory_space<hbm>>
      %dma_start3A_17 = arith.constant 0 : i32
      %dma_start3A_18 = tpu.memref_slice %arg4[%mul3A_14, %dma_start3A_17] : memref<1024x128xf32, #tpu.memory_space<hbm>> -> memref<32x128xf32, #tpu.memory_space<hbm>>
      tpu.enqueue_dma source(%arg7 : memref<32x128xf32, #tpu.memory_space<vmem>>) target(%dma_start3A_18 : memref<32x128xf32, #tpu.memory_space<hbm>>) target_semaphore(%run_scoped3A : memref<!tpu.dma_semaphore, #tpu.memory_space<semaphore_mem>>)
      %dma_wait3A_19 = arith.constant 0 : i32
      %dma_wait3A_20 = tpu.memref_slice %arg4[%mul3A_14, %dma_wait3A_19] : memref<1024x128xf32, #tpu.memory_space<hbm>> -> memref<32x128xf32, #tpu.memory_space<hbm>>
      %dma_wait3A_21 = arith.constant 0 : i32
      %dma_wait3A_22 = tpu.memref_slice %arg4[%mul3A_14, %dma_wait3A_21] : memref<1024x128xf32, #tpu.memory_space<hbm>> -> memref<32x128xf32, #tpu.memory_space<hbm>>
      tpu.wait_dma2 semaphore(%run_scoped3A : memref<!tpu.dma_semaphore, #tpu.memory_space<semaphore_mem>>) src(%arg7 : memref<32x128xf32, #tpu.memory_space<vmem>>) dst(%dma_wait3A_22 : memref<32x128xf32, #tpu.memory_space<hbm>>)
      tpu.yield
    }) : () -> ()
    return
  }
}

module attributes {stable_mosaic.version = 14 : i64} {
  func.func @_stage_b_body(%arg0: memref<50x8x1024xf32, #tpu.memory_space<vmem>>, %arg1: memref<50x8x1024xi32, #tpu.memory_space<vmem>>, %arg2: memref<5x1024xf32, #tpu.memory_space<vmem>>, %arg3: memref<5x1024xi32, #tpu.memory_space<vmem>>) attributes {dimension_semantics = [], scalar_prefetch = 0 : i64, scratch_operands = 0 : i64, tpu.core_type = #tpu.core_type<tc>} {
    %get3A = arith.constant 0 : index
    %get3A_0 = arith.constant 0 : index
    %get3A_1 = arith.constant 0 : index
    %get3A_2 = vector.load %arg0[%get3A, %get3A_0, %get3A_1] : memref<50x8x1024xf32, #tpu.memory_space<vmem>>, vector<50x8x1024xf32>
    %reshape3A = vector.shape_cast %get3A_2 : vector<50x8x1024xf32> to vector<400x1024xf32>
    %get3A_3 = arith.constant 0 : index
    %get3A_4 = arith.constant 0 : index
    %get3A_5 = arith.constant 0 : index
    %get3A_6 = vector.load %arg1[%get3A_3, %get3A_4, %get3A_5] : memref<50x8x1024xi32, #tpu.memory_space<vmem>>, vector<50x8x1024xi32>
    %reshape3A_7 = vector.shape_cast %get3A_6 : vector<50x8x1024xi32> to vector<400x1024xi32>
    %reduce_min3A = arith.constant dense<0x7F800000> : vector<1024xf32>
    %reduce_min3A_8 = vector.multi_reduction <minimumf>, %reshape3A, %reduce_min3A [0] : vector<400x1024xf32> to vector<1024xf32>
    %broadcast_in_dim3A = vector.shape_cast %reduce_min3A_8 : vector<1024xf32> to vector<1x1024xf32>
    %eq3A = vector.broadcast %broadcast_in_dim3A : vector<1x1024xf32> to vector<400x1024xf32>
    %eq3A_9 = arith.cmpf oeq, %reshape3A, %eq3A : vector<400x1024xf32>
    %jit3A = arith.constant 2147483647 : i32
    %broadcast_in_dim3A_10 = vector.broadcast %jit3A : i32 to vector<400x1024xi32>
    %select_n3A = arith.select %eq3A_9, %reshape3A_7, %broadcast_in_dim3A_10 : vector<400x1024xi1>, vector<400x1024xi32>
    %reduce_min3A_11 = arith.constant dense<2147483647> : vector<1024xi32>
    %reduce_min3A_12 = vector.multi_reduction <minsi>, %select_n3A, %reduce_min3A_11 [0] : vector<400x1024xi32> to vector<1024xi32>
    %broadcast_in_dim3A_13 = vector.shape_cast %reduce_min3A_12 : vector<1024xi32> to vector<1x1024xi32>
    %swap3A = arith.constant 0 : index
    %swap3A_14 = arith.constant 0 : index
    %swap3A_15 = vector.load %arg2[%swap3A, %swap3A_14] : memref<5x1024xf32, #tpu.memory_space<vmem>>, vector<1x1024xf32>
    tpu.vector_store %arg2[%swap3A, %swap3A_14], %broadcast_in_dim3A {strides = array<i32>} : memref<5x1024xf32, #tpu.memory_space<vmem>>, vector<1x1024xf32>,
    %swap3A_16 = arith.constant 0 : index
    %swap3A_17 = arith.constant 0 : index
    %swap3A_18 = vector.load %arg3[%swap3A_16, %swap3A_17] : memref<5x1024xi32, #tpu.memory_space<vmem>>, vector<1x1024xi32>
    tpu.vector_store %arg3[%swap3A_16, %swap3A_17], %broadcast_in_dim3A_13 {strides = array<i32>} : memref<5x1024xi32, #tpu.memory_space<vmem>>, vector<1x1024xi32>,
    %eq3A_19 = vector.broadcast %broadcast_in_dim3A_13 : vector<1x1024xi32> to vector<400x1024xi32>
    %eq3A_20 = arith.cmpi eq, %reshape3A_7, %eq3A_19 : vector<400x1024xi32>
    %and3A = arith.andi %eq3A_9, %eq3A_20 : vector<400x1024xi1>
    %jit3A_21 = arith.constant 1.000000e+30 : f32
    %broadcast_in_dim3A_22 = vector.broadcast %jit3A_21 : f32 to vector<400x1024xf32>
    %select_n3A_23 = arith.select %and3A, %broadcast_in_dim3A_22, %reshape3A : vector<400x1024xi1>, vector<400x1024xf32>
    %reduce_min3A_24 = arith.constant dense<0x7F800000> : vector<1024xf32>
    %reduce_min3A_25 = vector.multi_reduction <minimumf>, %select_n3A_23, %reduce_min3A_24 [0] : vector<400x1024xf32> to vector<1024xf32>
    %broadcast_in_dim3A_26 = vector.shape_cast %reduce_min3A_25 : vector<1024xf32> to vector<1x1024xf32>
    %eq3A_27 = vector.broadcast %broadcast_in_dim3A_26 : vector<1x1024xf32> to vector<400x1024xf32>
    %eq3A_28 = arith.cmpf oeq, %select_n3A_23, %eq3A_27 : vector<400x1024xf32>
    %jit3A_29 = arith.constant 2147483647 : i32
    %broadcast_in_dim3A_30 = vector.broadcast %jit3A_29 : i32 to vector<400x1024xi32>
    %select_n3A_31 = arith.select %eq3A_28, %reshape3A_7, %broadcast_in_dim3A_30 : vector<400x1024xi1>, vector<400x1024xi32>
    %reduce_min3A_32 = arith.constant dense<2147483647> : vector<1024xi32>
    %reduce_min3A_33 = vector.multi_reduction <minsi>, %select_n3A_31, %reduce_min3A_32 [0] : vector<400x1024xi32> to vector<1024xi32>
    %broadcast_in_dim3A_34 = vector.shape_cast %reduce_min3A_33 : vector<1024xi32> to vector<1x1024xi32>
    %swap3A_35 = arith.constant 1 : index
    %swap3A_36 = arith.constant 0 : index
    %swap3A_37 = vector.load %arg2[%swap3A_35, %swap3A_36] : memref<5x1024xf32, #tpu.memory_space<vmem>>, vector<1x1024xf32>
    tpu.vector_store %arg2[%swap3A_35, %swap3A_36], %broadcast_in_dim3A_26 {strides = array<i32>} : memref<5x1024xf32, #tpu.memory_space<vmem>>, vector<1x1024xf32>,
    %swap3A_38 = arith.constant 1 : index
    %swap3A_39 = arith.constant 0 : index
    %swap3A_40 = vector.load %arg3[%swap3A_38, %swap3A_39] : memref<5x1024xi32, #tpu.memory_space<vmem>>, vector<1x1024xi32>
    tpu.vector_store %arg3[%swap3A_38, %swap3A_39], %broadcast_in_dim3A_34 {strides = array<i32>} : memref<5x1024xi32, #tpu.memory_space<vmem>>, vector<1x1024xi32>,
    %eq3A_41 = vector.broadcast %broadcast_in_dim3A_34 : vector<1x1024xi32> to vector<400x1024xi32>
    %eq3A_42 = arith.cmpi eq, %reshape3A_7, %eq3A_41 : vector<400x1024xi32>
    %and3A_43 = arith.andi %eq3A_28, %eq3A_42 : vector<400x1024xi1>
    %jit3A_44 = arith.constant 1.000000e+30 : f32
    %broadcast_in_dim3A_45 = vector.broadcast %jit3A_44 : f32 to vector<400x1024xf32>
    %select_n3A_46 = arith.select %and3A_43, %broadcast_in_dim3A_45, %select_n3A_23 : vector<400x1024xi1>, vector<400x1024xf32>
    %reduce_min3A_47 = arith.constant dense<0x7F800000> : vector<1024xf32>
    %reduce_min3A_48 = vector.multi_reduction <minimumf>, %select_n3A_46, %reduce_min3A_47 [0] : vector<400x1024xf32> to vector<1024xf32>
    %broadcast_in_dim3A_49 = vector.shape_cast %reduce_min3A_48 : vector<1024xf32> to vector<1x1024xf32>
    %eq3A_50 = vector.broadcast %broadcast_in_dim3A_49 : vector<1x1024xf32> to vector<400x1024xf32>
    %eq3A_51 = arith.cmpf oeq, %select_n3A_46, %eq3A_50 : vector<400x1024xf32>
    %jit3A_52 = arith.constant 2147483647 : i32
    %broadcast_in_dim3A_53 = vector.broadcast %jit3A_52 : i32 to vector<400x1024xi32>
    %select_n3A_54 = arith.select %eq3A_51, %reshape3A_7, %broadcast_in_dim3A_53 : vector<400x1024xi1>, vector<400x1024xi32>
    %reduce_min3A_55 = arith.constant dense<2147483647> : vector<1024xi32>
    %reduce_min3A_56 = vector.multi_reduction <minsi>, %select_n3A_54, %reduce_min3A_55 [0] : vector<400x1024xi32> to vector<1024xi32>
    %broadcast_in_dim3A_57 = vector.shape_cast %reduce_min3A_56 : vector<1024xi32> to vector<1x1024xi32>
    %swap3A_58 = arith.constant 2 : index
    %swap3A_59 = arith.constant 0 : index
    %swap3A_60 = vector.load %arg2[%swap3A_58, %swap3A_59] : memref<5x1024xf32, #tpu.memory_space<vmem>>, vector<1x1024xf32>
    tpu.vector_store %arg2[%swap3A_58, %swap3A_59], %broadcast_in_dim3A_49 {strides = array<i32>} : memref<5x1024xf32, #tpu.memory_space<vmem>>, vector<1x1024xf32>,
    %swap3A_61 = arith.constant 2 : index
    %swap3A_62 = arith.constant 0 : index
    %swap3A_63 = vector.load %arg3[%swap3A_61, %swap3A_62] : memref<5x1024xi32, #tpu.memory_space<vmem>>, vector<1x1024xi32>
    tpu.vector_store %arg3[%swap3A_61, %swap3A_62], %broadcast_in_dim3A_57 {strides = array<i32>} : memref<5x1024xi32, #tpu.memory_space<vmem>>, vector<1x1024xi32>,
    %eq3A_64 = vector.broadcast %broadcast_in_dim3A_57 : vector<1x1024xi32> to vector<400x1024xi32>
    %eq3A_65 = arith.cmpi eq, %reshape3A_7, %eq3A_64 : vector<400x1024xi32>
    %and3A_66 = arith.andi %eq3A_51, %eq3A_65 : vector<400x1024xi1>
    %jit3A_67 = arith.constant 1.000000e+30 : f32
    %broadcast_in_dim3A_68 = vector.broadcast %jit3A_67 : f32 to vector<400x1024xf32>
    %select_n3A_69 = arith.select %and3A_66, %broadcast_in_dim3A_68, %select_n3A_46 : vector<400x1024xi1>, vector<400x1024xf32>
    %reduce_min3A_70 = arith.constant dense<0x7F800000> : vector<1024xf32>
    %reduce_min3A_71 = vector.multi_reduction <minimumf>, %select_n3A_69, %reduce_min3A_70 [0] : vector<400x1024xf32> to vector<1024xf32>
    %broadcast_in_dim3A_72 = vector.shape_cast %reduce_min3A_71 : vector<1024xf32> to vector<1x1024xf32>
    %eq3A_73 = vector.broadcast %broadcast_in_dim3A_72 : vector<1x1024xf32> to vector<400x1024xf32>
    %eq3A_74 = arith.cmpf oeq, %select_n3A_69, %eq3A_73 : vector<400x1024xf32>
    %jit3A_75 = arith.constant 2147483647 : i32
    %broadcast_in_dim3A_76 = vector.broadcast %jit3A_75 : i32 to vector<400x1024xi32>
    %select_n3A_77 = arith.select %eq3A_74, %reshape3A_7, %broadcast_in_dim3A_76 : vector<400x1024xi1>, vector<400x1024xi32>
    %reduce_min3A_78 = arith.constant dense<2147483647> : vector<1024xi32>
    %reduce_min3A_79 = vector.multi_reduction <minsi>, %select_n3A_77, %reduce_min3A_78 [0] : vector<400x1024xi32> to vector<1024xi32>
    %broadcast_in_dim3A_80 = vector.shape_cast %reduce_min3A_79 : vector<1024xi32> to vector<1x1024xi32>
    %swap3A_81 = arith.constant 3 : index
    %swap3A_82 = arith.constant 0 : index
    %swap3A_83 = vector.load %arg2[%swap3A_81, %swap3A_82] : memref<5x1024xf32, #tpu.memory_space<vmem>>, vector<1x1024xf32>
    tpu.vector_store %arg2[%swap3A_81, %swap3A_82], %broadcast_in_dim3A_72 {strides = array<i32>} : memref<5x1024xf32, #tpu.memory_space<vmem>>, vector<1x1024xf32>,
    %swap3A_84 = arith.constant 3 : index
    %swap3A_85 = arith.constant 0 : index
    %swap3A_86 = vector.load %arg3[%swap3A_84, %swap3A_85] : memref<5x1024xi32, #tpu.memory_space<vmem>>, vector<1x1024xi32>
    tpu.vector_store %arg3[%swap3A_84, %swap3A_85], %broadcast_in_dim3A_80 {strides = array<i32>} : memref<5x1024xi32, #tpu.memory_space<vmem>>, vector<1x1024xi32>,
    %eq3A_87 = vector.broadcast %broadcast_in_dim3A_80 : vector<1x1024xi32> to vector<400x1024xi32>
    %eq3A_88 = arith.cmpi eq, %reshape3A_7, %eq3A_87 : vector<400x1024xi32>
    %and3A_89 = arith.andi %eq3A_74, %eq3A_88 : vector<400x1024xi1>
    %jit3A_90 = arith.constant 1.000000e+30 : f32
    %broadcast_in_dim3A_91 = vector.broadcast %jit3A_90 : f32 to vector<400x1024xf32>
    %select_n3A_92 = arith.select %and3A_89, %broadcast_in_dim3A_91, %select_n3A_69 : vector<400x1024xi1>, vector<400x1024xf32>
    %reduce_min3A_93 = arith.constant dense<0x7F800000> : vector<1024xf32>
    %reduce_min3A_94 = vector.multi_reduction <minimumf>, %select_n3A_92, %reduce_min3A_93 [0] : vector<400x1024xf32> to vector<1024xf32>
    %broadcast_in_dim3A_95 = vector.shape_cast %reduce_min3A_94 : vector<1024xf32> to vector<1x1024xf32>
    %eq3A_96 = vector.broadcast %broadcast_in_dim3A_95 : vector<1x1024xf32> to vector<400x1024xf32>
    %eq3A_97 = arith.cmpf oeq, %select_n3A_92, %eq3A_96 : vector<400x1024xf32>
    %jit3A_98 = arith.constant 2147483647 : i32
    %broadcast_in_dim3A_99 = vector.broadcast %jit3A_98 : i32 to vector<400x1024xi32>
    %select_n3A_100 = arith.select %eq3A_97, %reshape3A_7, %broadcast_in_dim3A_99 : vector<400x1024xi1>, vector<400x1024xi32>
    %reduce_min3A_101 = arith.constant dense<2147483647> : vector<1024xi32>
    %reduce_min3A_102 = vector.multi_reduction <minsi>, %select_n3A_100, %reduce_min3A_101 [0] : vector<400x1024xi32> to vector<1024xi32>
    %broadcast_in_dim3A_103 = vector.shape_cast %reduce_min3A_102 : vector<1024xi32> to vector<1x1024xi32>
    %swap3A_104 = arith.constant 4 : index
    %swap3A_105 = arith.constant 0 : index
    %swap3A_106 = vector.load %arg2[%swap3A_104, %swap3A_105] : memref<5x1024xf32, #tpu.memory_space<vmem>>, vector<1x1024xf32>
    tpu.vector_store %arg2[%swap3A_104, %swap3A_105], %broadcast_in_dim3A_95 {strides = array<i32>} : memref<5x1024xf32, #tpu.memory_space<vmem>>, vector<1x1024xf32>,
    %swap3A_107 = arith.constant 4 : index
    %swap3A_108 = arith.constant 0 : index
    %swap3A_109 = vector.load %arg3[%swap3A_107, %swap3A_108] : memref<5x1024xi32, #tpu.memory_space<vmem>>, vector<1x1024xi32>
    tpu.vector_store %arg3[%swap3A_107, %swap3A_108], %broadcast_in_dim3A_103 {strides = array<i32>} : memref<5x1024xi32, #tpu.memory_space<vmem>>, vector<1x1024xi32>,
    return
  }
}

module attributes {stable_mosaic.version = 14 : i64} {
  func.func @_stage_a_body(%arg0: i32, %arg1: memref<2000x128xf32, #tpu.memory_space<vmem>>, %arg2: memref<128x1024xf32, #tpu.memory_space<vmem>>, %arg3: memref<1x8x1024xf32, #tpu.memory_space<vmem>>, %arg4: memref<1x8x1024xi32, #tpu.memory_space<vmem>>) attributes {dimension_semantics = [#tpu.dimension_semantics<parallel>], iteration_bounds = array<i64: 50>, scalar_prefetch = 0 : i64, scratch_operands = 0 : i64, tpu.core_type = #tpu.core_type<tc>, window_params = [{transform_indices = @transform_0, window_bounds = array<i64: 2000, 128>}, {pipeline_mode = #tpu.pipeline_mode<synchronous>, transform_indices = @transform_1, window_bounds = array<i64: 128, 1024>}, {transform_indices = @transform_2, window_bounds = array<i64: 1, 8, 1024>}, {transform_indices = @transform_3, window_bounds = array<i64: 1, 8, 1024>}]} {
    %get3A = arith.constant 0 : index
    %get3A_0 = arith.constant 0 : index
    %get3A_1 = vector.load %arg2[%get3A, %get3A_0] : memref<128x1024xf32, #tpu.memory_space<vmem>>, vector<128x1024xf32>
    %get3A_2 = arith.constant 0 : index
    %get3A_3 = arith.constant 0 : index
    %get3A_4 = vector.load %arg1[%get3A_2, %get3A_3] : memref<2000x128xf32, #tpu.memory_space<vmem>>, vector<2000x128xf32>
    %dot_general3A = arith.constant dense<0.000000e+00> : vector<2000x1024xf32>
    %dot_general3A_5 = tpu.matmul %get3A_4, %get3A_1, %dot_general3A {dimension_numbers = #tpu.dot_dimension_numbers<[1], [0], [0], [1], [0, 0, 1, 1], [], []>, transpose_lhs_hint = false} : vector<2000x128xf32>, vector<128x1024xf32>, vector<2000x1024xf32> -> vector<2000x1024xf32>
    %mul3A = arith.mulf %get3A_1, %get3A_1 : vector<128x1024xf32>
    %reduce_sum3A = arith.constant dense<0.000000e+00> : vector<1024xf32>
    %reduce_sum3A_6 = vector.multi_reduction <add>, %mul3A, %reduce_sum3A [0] : vector<128x1024xf32> to vector<1024xf32>
    %broadcast_in_dim3A = vector.shape_cast %reduce_sum3A_6 : vector<1024xf32> to vector<1x1024xf32>
    %mul3A_7 = arith.mulf %get3A_4, %get3A_4 : vector<2000x128xf32>
    %reduce_sum3A_8 = arith.constant dense<0.000000e+00> : vector<2000xf32>
    %reduce_sum3A_9 = vector.multi_reduction <add>, %mul3A_7, %reduce_sum3A_8 [1] : vector<2000x128xf32> to vector<2000xf32>
    %broadcast_in_dim3A_10 = vector.shape_cast %reduce_sum3A_9 : vector<2000xf32> to vector<2000x1xf32>
    %iota3A = tpu.iota {dimensions = array<i32: 0>} : vector<2000x1xi32>
    %mul3A_11 = arith.constant 2000 : i32
    %mul3A_12 = arith.muli %arg0, %mul3A_11 : i32
    %add3A = vector.broadcast %mul3A_12 : i32 to vector<2000x1xi32>
    %add3A_13 = arith.addi %iota3A, %add3A : vector<2000x1xi32>
    %add3A_14 = vector.broadcast %broadcast_in_dim3A : vector<1x1024xf32> to vector<2000x1024xf32>
    %add3A_15 = vector.broadcast %broadcast_in_dim3A_10 : vector<2000x1xf32> to vector<2000x1024xf32>
    %add3A_16 = arith.addf %add3A_14, %add3A_15 : vector<2000x1024xf32>
    %mul3A_17 = arith.constant 2.000000e+00 : f32
    %mul3A_18 = vector.broadcast %mul3A_17 : f32 to vector<2000x1024xf32>
    %mul3A_19 = arith.mulf %mul3A_18, %dot_general3A_5 : vector<2000x1024xf32>
    %sub3A = arith.subf %add3A_16, %mul3A_19 : vector<2000x1024xf32>
    %iota3A_20 = tpu.iota {dimensions = array<i32: 1>} : vector<1x2000xi32>
    %jit3A = arith.constant 64 : i32
    %div3A = vector.broadcast %jit3A : i32 to vector<1x2000xi32>
    %div3A_21 = arith.divsi %iota3A_20, %div3A : vector<1x2000xi32>
    %sign3A = arith.constant 0 : i32
    %sign3A_22 = vector.broadcast %sign3A : i32 to vector<1x2000xi32>
    %sign3A_23 = arith.cmpi sgt, %iota3A_20, %sign3A_22 : vector<1x2000xi32>
    %sign3A_24 = arith.extui %sign3A_23 : vector<1x2000xi1> to vector<1x2000xi32>
    %sign3A_25 = arith.constant 0 : i32
    %sign3A_26 = vector.broadcast %sign3A_25 : i32 to vector<1x2000xi32>
    %sign3A_27 = arith.cmpi slt, %iota3A_20, %sign3A_26 : vector<1x2000xi32>
    %sign3A_28 = arith.extui %sign3A_27 : vector<1x2000xi1> to vector<1x2000xi32>
    %sign3A_29 = arith.subi %sign3A_24, %sign3A_28 : vector<1x2000xi32>
    %sign3A_30 = arith.constant 0 : i32
    %sign3A_31 = arith.cmpi sgt, %jit3A, %sign3A_30 : i32
    %sign3A_32 = arith.extui %sign3A_31 : i1 to i32
    %sign3A_33 = arith.constant 0 : i32
    %sign3A_34 = arith.cmpi slt, %jit3A, %sign3A_33 : i32
    %sign3A_35 = arith.extui %sign3A_34 : i1 to i32
    %sign3A_36 = arith.subi %sign3A_32, %sign3A_35 : i32
    %ne3A = vector.broadcast %sign3A_36 : i32 to vector<1x2000xi32>
    %ne3A_37 = arith.cmpi ne, %sign3A_29, %ne3A : vector<1x2000xi32>
    %rem3A = vector.broadcast %jit3A : i32 to vector<1x2000xi32>
    %rem3A_38 = arith.remsi %iota3A_20, %rem3A : vector<1x2000xi32>
    %ne3A_39 = arith.constant 0 : i32
    %ne3A_40 = vector.broadcast %ne3A_39 : i32 to vector<1x2000xi32>
    %ne3A_41 = arith.cmpi ne, %rem3A_38, %ne3A_40 : vector<1x2000xi32>
    %and3A = arith.andi %ne3A_37, %ne3A_41 : vector<1x2000xi1>
    %sub3A_42 = arith.constant 1 : i32
    %sub3A_43 = vector.broadcast %sub3A_42 : i32 to vector<1x2000xi32>
    %sub3A_44 = arith.subi %div3A_21, %sub3A_43 : vector<1x2000xi32>
    %select_n3A = arith.select %and3A, %sub3A_44, %div3A_21 : vector<1x2000xi1>, vector<1x2000xi32>
    %convert_element_type3A = arith.sitofp %select_n3A : vector<1x2000xi32> to vector<1x2000xf32>
    %jit3A_45 = arith.constant 64 : i32
    %eq3A = arith.constant 0 : i32
    %eq3A_46 = arith.cmpi eq, %jit3A_45, %eq3A : i32
    %jit3A_47 = arith.constant 1 : i32
    %select_n3A_48 = arith.select %eq3A_46, %jit3A_47, %jit3A_45 : i32
    %rem3A_49 = vector.broadcast %select_n3A_48 : i32 to vector<1x2000xi32>
    %rem3A_50 = arith.remsi %iota3A_20, %rem3A_49 : vector<1x2000xi32>
    %ne3A_51 = arith.constant 0 : i32
    %ne3A_52 = vector.broadcast %ne3A_51 : i32 to vector<1x2000xi32>
    %ne3A_53 = arith.cmpi ne, %rem3A_50, %ne3A_52 : vector<1x2000xi32>
    %lt3A = arith.constant 0 : i32
    %lt3A_54 = vector.broadcast %lt3A : i32 to vector<1x2000xi32>
    %lt3A_55 = arith.cmpi slt, %rem3A_50, %lt3A_54 : vector<1x2000xi32>
    %lt3A_56 = arith.constant 0 : i32
    %lt3A_57 = arith.cmpi slt, %select_n3A_48, %lt3A_56 : i32
    %ne3A_58 = vector.broadcast %lt3A_57 : i1 to vector<1x2000xi1>
    %ne3A_59 = vector.broadcast %ne3A_58 : vector<1x2000xi1> to vector<1x2000xi1>
    %ne3A_60 = arith.xori %lt3A_55, %ne3A_59 : vector<1x2000xi1>
    %and3A_61 = arith.andi %ne3A_60, %ne3A_53 : vector<1x2000xi1>
    %add3A_62 = vector.broadcast %select_n3A_48 : i32 to vector<1x2000xi32>
    %add3A_63 = arith.addi %rem3A_50, %add3A_62 : vector<1x2000xi32>
    %select_n3A_64 = arith.select %and3A_61, %add3A_63, %rem3A_50 : vector<1x2000xi1>, vector<1x2000xi32>
    %convert_element_type3A_65 = arith.sitofp %select_n3A_64 : vector<1x2000xi32> to vector<1x2000xf32>
    %broadcast_in_dim3A_66 = arith.constant 1.000000e+00 : f32
    %broadcast_in_dim3A_67 = vector.broadcast %broadcast_in_dim3A_66 : f32 to vector<1x2000xf32>
    %concatenate3A = tpu.concatenate %convert_element_type3A, %convert_element_type3A_65, %broadcast_in_dim3A_67 in 0 : vector<1x2000xf32>, vector<1x2000xf32>, vector<1x2000xf32> -> vector<3x2000xf32>
    %iota3A_68 = tpu.iota {dimensions = array<i32: 0>} : vector<8x1024xi32>
    %broadcast_in_dim3A_69 = arith.constant 1.000000e+30 : f32
    %broadcast_in_dim3A_70 = vector.broadcast %broadcast_in_dim3A_69 : f32 to vector<8x1024xf32>
    %broadcast_in_dim3A_71 = arith.constant 2147483647 : i32
    %broadcast_in_dim3A_72 = vector.broadcast %broadcast_in_dim3A_71 : i32 to vector<8x1024xi32>
    %broadcast_in_dim3A_73 = arith.constant 0.000000e+00 : f32
    %broadcast_in_dim3A_74 = vector.broadcast %broadcast_in_dim3A_73 : f32 to vector<1x1024xf32>
    %reduce_min3A = arith.constant dense<0x7F800000> : vector<1024xf32>
    %reduce_min3A_75 = vector.multi_reduction <minimumf>, %sub3A, %reduce_min3A [0] : vector<2000x1024xf32> to vector<1024xf32>
    %broadcast_in_dim3A_76 = vector.shape_cast %reduce_min3A_75 : vector<1024xf32> to vector<1x1024xf32>
    %eq3A_77 = vector.broadcast %broadcast_in_dim3A_76 : vector<1x1024xf32> to vector<2000x1024xf32>
    %eq3A_78 = arith.cmpf oeq, %sub3A, %eq3A_77 : vector<2000x1024xf32>
    %jit3A_79 = arith.constant 1.000000e+00 : f32
    %jit3A_80 = arith.constant 0.000000e+00 : f32
    %broadcast_in_dim3A_81 = vector.broadcast %jit3A_79 : f32 to vector<2000x1024xf32>
    %broadcast_in_dim3A_82 = vector.broadcast %jit3A_80 : f32 to vector<2000x1024xf32>
    %select_n3A_83 = arith.select %eq3A_78, %broadcast_in_dim3A_81, %broadcast_in_dim3A_82 : vector<2000x1024xi1>, vector<2000x1024xf32>
    %dot_general3A_84 = arith.constant dense<0.000000e+00> : vector<3x1024xf32>
    %dot_general3A_85 = tpu.matmul %concatenate3A, %select_n3A_83, %dot_general3A_84 {dimension_numbers = #tpu.dot_dimension_numbers<[1], [0], [0], [1], [0, 0, 1, 1], [], []>, transpose_lhs_hint = false} : vector<3x2000xf32>, vector<2000x1024xf32>, vector<3x1024xf32> -> vector<3x1024xf32>
    %slice3A = vector.extract_strided_slice %dot_general3A_85 {offsets = [0, 0], sizes = [1, 1024], strides = [1, 1]} : vector<3x1024xf32> to vector<1x1024xf32>
    %mul3A_86 = arith.constant 6.400000e+01 : f32
    %mul3A_87 = vector.broadcast %mul3A_86 : f32 to vector<1x1024xf32>
    %mul3A_88 = arith.mulf %slice3A, %mul3A_87 : vector<1x1024xf32>
    %slice3A_89 = vector.extract_strided_slice %dot_general3A_85 {offsets = [1, 0], sizes = [1, 1024], strides = [1, 1]} : vector<3x1024xf32> to vector<1x1024xf32>
    %add3A_90 = arith.addf %mul3A_88, %slice3A_89 : vector<1x1024xf32>
    %convert_element_type3A_91 = arith.fptosi %add3A_90 : vector<1x1024xf32> to vector<1x1024xi32>
    %mul3A_92 = arith.constant 2000 : i32
    %mul3A_93 = arith.muli %arg0, %mul3A_92 : i32
    %add3A_94 = vector.broadcast %mul3A_93 : i32 to vector<1x1024xi32>
    %add3A_95 = arith.addi %convert_element_type3A_91, %add3A_94 : vector<1x1024xi32>
    %slice3A_96 = vector.extract_strided_slice %dot_general3A_85 {offsets = [2, 0], sizes = [1, 1024], strides = [1, 1]} : vector<3x1024xf32> to vector<1x1024xf32>
    %max3A = arith.maximumf %broadcast_in_dim3A_74, %slice3A_96 : vector<1x1024xf32>
    %eq3A_97 = arith.constant 0 : i32
    %eq3A_98 = vector.broadcast %eq3A_97 : i32 to vector<8x1024xi32>
    %eq3A_99 = arith.cmpi eq, %iota3A_68, %eq3A_98 : vector<8x1024xi32>
    %broadcast_in_dim3A_100 = vector.shape_cast %broadcast_in_dim3A_76 : vector<1x1024xf32> to vector<1x1024xf32>
    %broadcast_in_dim3A_101 = vector.broadcast %broadcast_in_dim3A_100 : vector<1x1024xf32> to vector<8x1024xf32>
    %select_n3A_102 = arith.select %eq3A_99, %broadcast_in_dim3A_101, %broadcast_in_dim3A_70 : vector<8x1024xi1>, vector<8x1024xf32>
    %eq3A_103 = arith.constant 0 : i32
    %eq3A_104 = vector.broadcast %eq3A_103 : i32 to vector<8x1024xi32>
    %eq3A_105 = arith.cmpi eq, %iota3A_68, %eq3A_104 : vector<8x1024xi32>
    %broadcast_in_dim3A_106 = vector.shape_cast %add3A_95 : vector<1x1024xi32> to vector<1x1024xi32>
    %broadcast_in_dim3A_107 = vector.broadcast %broadcast_in_dim3A_106 : vector<1x1024xi32> to vector<8x1024xi32>
    %select_n3A_108 = arith.select %eq3A_105, %broadcast_in_dim3A_107, %broadcast_in_dim3A_72 : vector<8x1024xi1>, vector<8x1024xi32>
    %jit3A_109 = arith.constant 1.000000e+30 : f32
    %broadcast_in_dim3A_110 = vector.broadcast %jit3A_109 : f32 to vector<2000x1024xf32>
    %select_n3A_111 = arith.select %eq3A_78, %broadcast_in_dim3A_110, %sub3A : vector<2000x1024xi1>, vector<2000x1024xf32>
    %reduce_min3A_112 = arith.constant dense<0x7F800000> : vector<1024xf32>
    %reduce_min3A_113 = vector.multi_reduction <minimumf>, %select_n3A_111, %reduce_min3A_112 [0] : vector<2000x1024xf32> to vector<1024xf32>
    %broadcast_in_dim3A_114 = vector.shape_cast %reduce_min3A_113 : vector<1024xf32> to vector<1x1024xf32>
    %eq3A_115 = vector.broadcast %broadcast_in_dim3A_114 : vector<1x1024xf32> to vector<2000x1024xf32>
    %eq3A_116 = arith.cmpf oeq, %select_n3A_111, %eq3A_115 : vector<2000x1024xf32>
    %jit3A_117 = arith.constant 1.000000e+00 : f32
    %jit3A_118 = arith.constant 0.000000e+00 : f32
    %broadcast_in_dim3A_119 = vector.broadcast %jit3A_117 : f32 to vector<2000x1024xf32>
    %broadcast_in_dim3A_120 = vector.broadcast %jit3A_118 : f32 to vector<2000x1024xf32>
    %select_n3A_121 = arith.select %eq3A_116, %broadcast_in_dim3A_119, %broadcast_in_dim3A_120 : vector<2000x1024xi1>, vector<2000x1024xf32>
    %dot_general3A_122 = arith.constant dense<0.000000e+00> : vector<3x1024xf32>
    %dot_general3A_123 = tpu.matmul %concatenate3A, %select_n3A_121, %dot_general3A_122 {dimension_numbers = #tpu.dot_dimension_numbers<[1], [0], [0], [1], [0, 0, 1, 1], [], []>, transpose_lhs_hint = false} : vector<3x2000xf32>, vector<2000x1024xf32>, vector<3x1024xf32> -> vector<3x1024xf32>
    %slice3A_124 = vector.extract_strided_slice %dot_general3A_123 {offsets = [0, 0], sizes = [1, 1024], strides = [1, 1]} : vector<3x1024xf32> to vector<1x1024xf32>
    %mul3A_125 = arith.constant 6.400000e+01 : f32
    %mul3A_126 = vector.broadcast %mul3A_125 : f32 to vector<1x1024xf32>
    %mul3A_127 = arith.mulf %slice3A_124, %mul3A_126 : vector<1x1024xf32>
    %slice3A_128 = vector.extract_strided_slice %dot_general3A_123 {offsets = [1, 0], sizes = [1, 1024], strides = [1, 1]} : vector<3x1024xf32> to vector<1x1024xf32>
    %add3A_129 = arith.addf %mul3A_127, %slice3A_128 : vector<1x1024xf32>
    %convert_element_type3A_130 = arith.fptosi %add3A_129 : vector<1x1024xf32> to vector<1x1024xi32>
    %mul3A_131 = arith.constant 2000 : i32
    %mul3A_132 = arith.muli %arg0, %mul3A_131 : i32
    %add3A_133 = vector.broadcast %mul3A_132 : i32 to vector<1x1024xi32>
    %add3A_134 = arith.addi %convert_element_type3A_130, %add3A_133 : vector<1x1024xi32>
    %slice3A_135 = vector.extract_strided_slice %dot_general3A_123 {offsets = [2, 0], sizes = [1, 1024], strides = [1, 1]} : vector<3x1024xf32> to vector<1x1024xf32>
    %max3A_136 = arith.maximumf %max3A, %slice3A_135 : vector<1x1024xf32>
    %eq3A_137 = arith.constant 1 : i32
    %eq3A_138 = vector.broadcast %eq3A_137 : i32 to vector<8x1024xi32>
    %eq3A_139 = arith.cmpi eq, %iota3A_68, %eq3A_138 : vector<8x1024xi32>
    %broadcast_in_dim3A_140 = vector.shape_cast %broadcast_in_dim3A_114 : vector<1x1024xf32> to vector<1x1024xf32>
    %broadcast_in_dim3A_141 = vector.broadcast %broadcast_in_dim3A_140 : vector<1x1024xf32> to vector<8x1024xf32>
    %select_n3A_142 = arith.select %eq3A_139, %broadcast_in_dim3A_141, %select_n3A_102 : vector<8x1024xi1>, vector<8x1024xf32>
    %eq3A_143 = arith.constant 1 : i32
    %eq3A_144 = vector.broadcast %eq3A_143 : i32 to vector<8x1024xi32>
    %eq3A_145 = arith.cmpi eq, %iota3A_68, %eq3A_144 : vector<8x1024xi32>
    %broadcast_in_dim3A_146 = vector.shape_cast %add3A_134 : vector<1x1024xi32> to vector<1x1024xi32>
    %broadcast_in_dim3A_147 = vector.broadcast %broadcast_in_dim3A_146 : vector<1x1024xi32> to vector<8x1024xi32>
    %select_n3A_148 = arith.select %eq3A_145, %broadcast_in_dim3A_147, %select_n3A_108 : vector<8x1024xi1>, vector<8x1024xi32>
    %jit3A_149 = arith.constant 1.000000e+30 : f32
    %broadcast_in_dim3A_150 = vector.broadcast %jit3A_149 : f32 to vector<2000x1024xf32>
    %select_n3A_151 = arith.select %eq3A_116, %broadcast_in_dim3A_150, %select_n3A_111 : vector<2000x1024xi1>, vector<2000x1024xf32>
    %reduce_min3A_152 = arith.constant dense<0x7F800000> : vector<1024xf32>
    %reduce_min3A_153 = vector.multi_reduction <minimumf>, %select_n3A_151, %reduce_min3A_152 [0] : vector<2000x1024xf32> to vector<1024xf32>
    %broadcast_in_dim3A_154 = vector.shape_cast %reduce_min3A_153 : vector<1024xf32> to vector<1x1024xf32>
    %eq3A_155 = vector.broadcast %broadcast_in_dim3A_154 : vector<1x1024xf32> to vector<2000x1024xf32>
    %eq3A_156 = arith.cmpf oeq, %select_n3A_151, %eq3A_155 : vector<2000x1024xf32>
    %jit3A_157 = arith.constant 1.000000e+00 : f32
    %jit3A_158 = arith.constant 0.000000e+00 : f32
    %broadcast_in_dim3A_159 = vector.broadcast %jit3A_157 : f32 to vector<2000x1024xf32>
    %broadcast_in_dim3A_160 = vector.broadcast %jit3A_158 : f32 to vector<2000x1024xf32>
    %select_n3A_161 = arith.select %eq3A_156, %broadcast_in_dim3A_159, %broadcast_in_dim3A_160 : vector<2000x1024xi1>, vector<2000x1024xf32>
    %dot_general3A_162 = arith.constant dense<0.000000e+00> : vector<3x1024xf32>
    %dot_general3A_163 = tpu.matmul %concatenate3A, %select_n3A_161, %dot_general3A_162 {dimension_numbers = #tpu.dot_dimension_numbers<[1], [0], [0], [1], [0, 0, 1, 1], [], []>, transpose_lhs_hint = false} : vector<3x2000xf32>, vector<2000x1024xf32>, vector<3x1024xf32> -> vector<3x1024xf32>
    %slice3A_164 = vector.extract_strided_slice %dot_general3A_163 {offsets = [0, 0], sizes = [1, 1024], strides = [1, 1]} : vector<3x1024xf32> to vector<1x1024xf32>
    %mul3A_165 = arith.constant 6.400000e+01 : f32
    %mul3A_166 = vector.broadcast %mul3A_165 : f32 to vector<1x1024xf32>
    %mul3A_167 = arith.mulf %slice3A_164, %mul3A_166 : vector<1x1024xf32>
    %slice3A_168 = vector.extract_strided_slice %dot_general3A_163 {offsets = [1, 0], sizes = [1, 1024], strides = [1, 1]} : vector<3x1024xf32> to vector<1x1024xf32>
    %add3A_169 = arith.addf %mul3A_167, %slice3A_168 : vector<1x1024xf32>
    %convert_element_type3A_170 = arith.fptosi %add3A_169 : vector<1x1024xf32> to vector<1x1024xi32>
    %mul3A_171 = arith.constant 2000 : i32
    %mul3A_172 = arith.muli %arg0, %mul3A_171 : i32
    %add3A_173 = vector.broadcast %mul3A_172 : i32 to vector<1x1024xi32>
    %add3A_174 = arith.addi %convert_element_type3A_170, %add3A_173 : vector<1x1024xi32>
    %slice3A_175 = vector.extract_strided_slice %dot_general3A_163 {offsets = [2, 0], sizes = [1, 1024], strides = [1, 1]} : vector<3x1024xf32> to vector<1x1024xf32>
    %max3A_176 = arith.maximumf %max3A_136, %slice3A_175 : vector<1x1024xf32>
    %eq3A_177 = arith.constant 2 : i32
    %eq3A_178 = vector.broadcast %eq3A_177 : i32 to vector<8x1024xi32>
    %eq3A_179 = arith.cmpi eq, %iota3A_68, %eq3A_178 : vector<8x1024xi32>
    %broadcast_in_dim3A_180 = vector.shape_cast %broadcast_in_dim3A_154 : vector<1x1024xf32> to vector<1x1024xf32>
    %broadcast_in_dim3A_181 = vector.broadcast %broadcast_in_dim3A_180 : vector<1x1024xf32> to vector<8x1024xf32>
    %select_n3A_182 = arith.select %eq3A_179, %broadcast_in_dim3A_181, %select_n3A_142 : vector<8x1024xi1>, vector<8x1024xf32>
    %eq3A_183 = arith.constant 2 : i32
    %eq3A_184 = vector.broadcast %eq3A_183 : i32 to vector<8x1024xi32>
    %eq3A_185 = arith.cmpi eq, %iota3A_68, %eq3A_184 : vector<8x1024xi32>
    %broadcast_in_dim3A_186 = vector.shape_cast %add3A_174 : vector<1x1024xi32> to vector<1x1024xi32>
    %broadcast_in_dim3A_187 = vector.broadcast %broadcast_in_dim3A_186 : vector<1x1024xi32> to vector<8x1024xi32>
    %select_n3A_188 = arith.select %eq3A_185, %broadcast_in_dim3A_187, %select_n3A_148 : vector<8x1024xi1>, vector<8x1024xi32>
    %jit3A_189 = arith.constant 1.000000e+30 : f32
    %broadcast_in_dim3A_190 = vector.broadcast %jit3A_189 : f32 to vector<2000x1024xf32>
    %select_n3A_191 = arith.select %eq3A_156, %broadcast_in_dim3A_190, %select_n3A_151 : vector<2000x1024xi1>, vector<2000x1024xf32>
    %reduce_min3A_192 = arith.constant dense<0x7F800000> : vector<1024xf32>
    %reduce_min3A_193 = vector.multi_reduction <minimumf>, %select_n3A_191, %reduce_min3A_192 [0] : vector<2000x1024xf32> to vector<1024xf32>
    %broadcast_in_dim3A_194 = vector.shape_cast %reduce_min3A_193 : vector<1024xf32> to vector<1x1024xf32>
    %eq3A_195 = vector.broadcast %broadcast_in_dim3A_194 : vector<1x1024xf32> to vector<2000x1024xf32>
    %eq3A_196 = arith.cmpf oeq, %select_n3A_191, %eq3A_195 : vector<2000x1024xf32>
    %jit3A_197 = arith.constant 1.000000e+00 : f32
    %jit3A_198 = arith.constant 0.000000e+00 : f32
    %broadcast_in_dim3A_199 = vector.broadcast %jit3A_197 : f32 to vector<2000x1024xf32>
    %broadcast_in_dim3A_200 = vector.broadcast %jit3A_198 : f32 to vector<2000x1024xf32>
    %select_n3A_201 = arith.select %eq3A_196, %broadcast_in_dim3A_199, %broadcast_in_dim3A_200 : vector<2000x1024xi1>, vector<2000x1024xf32>
    %dot_general3A_202 = arith.constant dense<0.000000e+00> : vector<3x1024xf32>
    %dot_general3A_203 = tpu.matmul %concatenate3A, %select_n3A_201, %dot_general3A_202 {dimension_numbers = #tpu.dot_dimension_numbers<[1], [0], [0], [1], [0, 0, 1, 1], [], []>, transpose_lhs_hint = false} : vector<3x2000xf32>, vector<2000x1024xf32>, vector<3x1024xf32> -> vector<3x1024xf32>
    %slice3A_204 = vector.extract_strided_slice %dot_general3A_203 {offsets = [0, 0], sizes = [1, 1024], strides = [1, 1]} : vector<3x1024xf32> to vector<1x1024xf32>
    %mul3A_205 = arith.constant 6.400000e+01 : f32
    %mul3A_206 = vector.broadcast %mul3A_205 : f32 to vector<1x1024xf32>
    %mul3A_207 = arith.mulf %slice3A_204, %mul3A_206 : vector<1x1024xf32>
    %slice3A_208 = vector.extract_strided_slice %dot_general3A_203 {offsets = [1, 0], sizes = [1, 1024], strides = [1, 1]} : vector<3x1024xf32> to vector<1x1024xf32>
    %add3A_209 = arith.addf %mul3A_207, %slice3A_208 : vector<1x1024xf32>
    %convert_element_type3A_210 = arith.fptosi %add3A_209 : vector<1x1024xf32> to vector<1x1024xi32>
    %mul3A_211 = arith.constant 2000 : i32
    %mul3A_212 = arith.muli %arg0, %mul3A_211 : i32
    %add3A_213 = vector.broadcast %mul3A_212 : i32 to vector<1x1024xi32>
    %add3A_214 = arith.addi %convert_element_type3A_210, %add3A_213 : vector<1x1024xi32>
    %slice3A_215 = vector.extract_strided_slice %dot_general3A_203 {offsets = [2, 0], sizes = [1, 1024], strides = [1, 1]} : vector<3x1024xf32> to vector<1x1024xf32>
    %max3A_216 = arith.maximumf %max3A_176, %slice3A_215 : vector<1x1024xf32>
    %eq3A_217 = arith.constant 3 : i32
    %eq3A_218 = vector.broadcast %eq3A_217 : i32 to vector<8x1024xi32>
    %eq3A_219 = arith.cmpi eq, %iota3A_68, %eq3A_218 : vector<8x1024xi32>
    %broadcast_in_dim3A_220 = vector.shape_cast %broadcast_in_dim3A_194 : vector<1x1024xf32> to vector<1x1024xf32>
    %broadcast_in_dim3A_221 = vector.broadcast %broadcast_in_dim3A_220 : vector<1x1024xf32> to vector<8x1024xf32>
    %select_n3A_222 = arith.select %eq3A_219, %broadcast_in_dim3A_221, %select_n3A_182 : vector<8x1024xi1>, vector<8x1024xf32>
    %eq3A_223 = arith.constant 3 : i32
    %eq3A_224 = vector.broadcast %eq3A_223 : i32 to vector<8x1024xi32>
    %eq3A_225 = arith.cmpi eq, %iota3A_68, %eq3A_224 : vector<8x1024xi32>
    %broadcast_in_dim3A_226 = vector.shape_cast %add3A_214 : vector<1x1024xi32> to vector<1x1024xi32>
    %broadcast_in_dim3A_227 = vector.broadcast %broadcast_in_dim3A_226 : vector<1x1024xi32> to vector<8x1024xi32>
    %select_n3A_228 = arith.select %eq3A_225, %broadcast_in_dim3A_227, %select_n3A_188 : vector<8x1024xi1>, vector<8x1024xi32>
    %jit3A_229 = arith.constant 1.000000e+30 : f32
    %broadcast_in_dim3A_230 = vector.broadcast %jit3A_229 : f32 to vector<2000x1024xf32>
    %select_n3A_231 = arith.select %eq3A_196, %broadcast_in_dim3A_230, %select_n3A_191 : vector<2000x1024xi1>, vector<2000x1024xf32>
    %reduce_min3A_232 = arith.constant dense<0x7F800000> : vector<1024xf32>
    %reduce_min3A_233 = vector.multi_reduction <minimumf>, %select_n3A_231, %reduce_min3A_232 [0] : vector<2000x1024xf32> to vector<1024xf32>
    %broadcast_in_dim3A_234 = vector.shape_cast %reduce_min3A_233 : vector<1024xf32> to vector<1x1024xf32>
    %eq3A_235 = vector.broadcast %broadcast_in_dim3A_234 : vector<1x1024xf32> to vector<2000x1024xf32>
    %eq3A_236 = arith.cmpf oeq, %select_n3A_231, %eq3A_235 : vector<2000x1024xf32>
    %jit3A_237 = arith.constant 1.000000e+00 : f32
    %jit3A_238 = arith.constant 0.000000e+00 : f32
    %broadcast_in_dim3A_239 = vector.broadcast %jit3A_237 : f32 to vector<2000x1024xf32>
    %broadcast_in_dim3A_240 = vector.broadcast %jit3A_238 : f32 to vector<2000x1024xf32>
    %select_n3A_241 = arith.select %eq3A_236, %broadcast_in_dim3A_239, %broadcast_in_dim3A_240 : vector<2000x1024xi1>, vector<2000x1024xf32>
    %dot_general3A_242 = arith.constant dense<0.000000e+00> : vector<3x1024xf32>
    %dot_general3A_243 = tpu.matmul %concatenate3A, %select_n3A_241, %dot_general3A_242 {dimension_numbers = #tpu.dot_dimension_numbers<[1], [0], [0], [1], [0, 0, 1, 1], [], []>, transpose_lhs_hint = false} : vector<3x2000xf32>, vector<2000x1024xf32>, vector<3x1024xf32> -> vector<3x1024xf32>
    %slice3A_244 = vector.extract_strided_slice %dot_general3A_243 {offsets = [0, 0], sizes = [1, 1024], strides = [1, 1]} : vector<3x1024xf32> to vector<1x1024xf32>
    %mul3A_245 = arith.constant 6.400000e+01 : f32
    %mul3A_246 = vector.broadcast %mul3A_245 : f32 to vector<1x1024xf32>
    %mul3A_247 = arith.mulf %slice3A_244, %mul3A_246 : vector<1x1024xf32>
    %slice3A_248 = vector.extract_strided_slice %dot_general3A_243 {offsets = [1, 0], sizes = [1, 1024], strides = [1, 1]} : vector<3x1024xf32> to vector<1x1024xf32>
    %add3A_249 = arith.addf %mul3A_247, %slice3A_248 : vector<1x1024xf32>
    %convert_element_type3A_250 = arith.fptosi %add3A_249 : vector<1x1024xf32> to vector<1x1024xi32>
    %mul3A_251 = arith.constant 2000 : i32
    %mul3A_252 = arith.muli %arg0, %mul3A_251 : i32
    %add3A_253 = vector.broadcast %mul3A_252 : i32 to vector<1x1024xi32>
    %add3A_254 = arith.addi %convert_element_type3A_250, %add3A_253 : vector<1x1024xi32>
    %slice3A_255 = vector.extract_strided_slice %dot_general3A_243 {offsets = [2, 0], sizes = [1, 1024], strides = [1, 1]} : vector<3x1024xf32> to vector<1x1024xf32>
    %max3A_256 = arith.maximumf %max3A_216, %slice3A_255 : vector<1x1024xf32>
    %eq3A_257 = arith.constant 4 : i32
    %eq3A_258 = vector.broadcast %eq3A_257 : i32 to vector<8x1024xi32>
    %eq3A_259 = arith.cmpi eq, %iota3A_68, %eq3A_258 : vector<8x1024xi32>
    %broadcast_in_dim3A_260 = vector.shape_cast %broadcast_in_dim3A_234 : vector<1x1024xf32> to vector<1x1024xf32>
    %broadcast_in_dim3A_261 = vector.broadcast %broadcast_in_dim3A_260 : vector<1x1024xf32> to vector<8x1024xf32>
    %select_n3A_262 = arith.select %eq3A_259, %broadcast_in_dim3A_261, %select_n3A_222 : vector<8x1024xi1>, vector<8x1024xf32>
    %eq3A_263 = arith.constant 4 : i32
    %eq3A_264 = vector.broadcast %eq3A_263 : i32 to vector<8x1024xi32>
    %eq3A_265 = arith.cmpi eq, %iota3A_68, %eq3A_264 : vector<8x1024xi32>
    %broadcast_in_dim3A_266 = vector.shape_cast %add3A_254 : vector<1x1024xi32> to vector<1x1024xi32>
    %broadcast_in_dim3A_267 = vector.broadcast %broadcast_in_dim3A_266 : vector<1x1024xi32> to vector<8x1024xi32>
    %select_n3A_268 = arith.select %eq3A_265, %broadcast_in_dim3A_267, %select_n3A_228 : vector<8x1024xi1>, vector<8x1024xi32>
    %reshape3A = vector.shape_cast %select_n3A_262 : vector<8x1024xf32> to vector<1x8x1024xf32>
    %swap3A = arith.constant 0 : index
    %swap3A_269 = arith.constant 0 : index
    %swap3A_270 = arith.constant 0 : index
    %swap3A_271 = vector.load %arg3[%swap3A, %swap3A_269, %swap3A_270] : memref<1x8x1024xf32, #tpu.memory_space<vmem>>, vector<1x8x1024xf32>
    tpu.vector_store %arg3[%swap3A, %swap3A_269, %swap3A_270], %reshape3A {strides = array<i32>} : memref<1x8x1024xf32, #tpu.memory_space<vmem>>, vector<1x8x1024xf32>,
    %reshape3A_272 = vector.shape_cast %select_n3A_268 : vector<8x1024xi32> to vector<1x8x1024xi32>
    %swap3A_273 = arith.constant 0 : index
    %swap3A_274 = arith.constant 0 : index
    %swap3A_275 = arith.constant 0 : index
    %swap3A_276 = vector.load %arg4[%swap3A_273, %swap3A_274, %swap3A_275] : memref<1x8x1024xi32, #tpu.memory_space<vmem>>, vector<1x8x1024xi32>
    tpu.vector_store %arg4[%swap3A_273, %swap3A_274, %swap3A_275], %reshape3A_272 {strides = array<i32>} : memref<1x8x1024xi32, #tpu.memory_space<vmem>>, vector<1x8x1024xi32>,
    %reduce_max3A = vector.shape_cast %max3A_256 : vector<1x1024xf32> to vector<1x1x1024xf32>
    %reduce_max3A_277 = arith.constant dense<0xFF800000> : vector<1xf32>
    %reduce_max3A_278 = vector.multi_reduction <maximumf>, %reduce_max3A, %reduce_max3A_277 [1, 2] : vector<1x1x1024xf32> to vector<1xf32>
    %reduce_max3A_279 = vector.shape_cast %reduce_max3A_278 : vector<1xf32> to vector<1x1x1xf32>
    %reduce_max3A_280 = vector.extract %reduce_max3A_279[0, 0, 0] : f32 from vector<1x1x1xf32>
    %gt3A = arith.constant 1.500000e+00 : f32
    %gt3A_281 = arith.cmpf ogt, %reduce_max3A_280, %gt3A : f32
    %convert_element_type3A_282 = arith.extui %gt3A_281 : i1 to i32
    %cond3A = arith.constant 0 : i32
    %cond3A_283 = arith.cmpi ne, %convert_element_type3A_282, %cond3A : i32
    scf.if %cond3A_283 {
      %broadcast_in_dim3A_284 = arith.constant 1.000000e+30 : f32
      %broadcast_in_dim3A_285 = vector.broadcast %broadcast_in_dim3A_284 : f32 to vector<8x1024xf32>
      %broadcast_in_dim3A_286 = arith.constant 2147483647 : i32
      %broadcast_in_dim3A_287 = vector.broadcast %broadcast_in_dim3A_286 : i32 to vector<8x1024xi32>
      %reduce_min3A_288 = arith.constant dense<0x7F800000> : vector<1024xf32>
      %reduce_min3A_289 = vector.multi_reduction <minimumf>, %sub3A, %reduce_min3A_288 [0] : vector<2000x1024xf32> to vector<1024xf32>
      %broadcast_in_dim3A_290 = vector.shape_cast %reduce_min3A_289 : vector<1024xf32> to vector<1x1024xf32>
      %eq3A_291 = vector.broadcast %broadcast_in_dim3A_290 : vector<1x1024xf32> to vector<2000x1024xf32>
      %eq3A_292 = arith.cmpf oeq, %sub3A, %eq3A_291 : vector<2000x1024xf32>
      %jit3A_293 = arith.constant 2147483647 : i32
      %broadcast_in_dim3A_294 = vector.shape_cast %add3A_13 : vector<2000x1xi32> to vector<2000x1xi32>
      %broadcast_in_dim3A_295 = vector.broadcast %broadcast_in_dim3A_294 : vector<2000x1xi32> to vector<2000x1024xi32>
      %broadcast_in_dim3A_296 = vector.broadcast %jit3A_293 : i32 to vector<2000x1024xi32>
      %select_n3A_297 = arith.select %eq3A_292, %broadcast_in_dim3A_295, %broadcast_in_dim3A_296 : vector<2000x1024xi1>, vector<2000x1024xi32>
      %reduce_min3A_298 = arith.constant dense<2147483647> : vector<1024xi32>
      %reduce_min3A_299 = vector.multi_reduction <minsi>, %select_n3A_297, %reduce_min3A_298 [0] : vector<2000x1024xi32> to vector<1024xi32>
      %broadcast_in_dim3A_300 = vector.shape_cast %reduce_min3A_299 : vector<1024xi32> to vector<1x1024xi32>
      %eq3A_301 = arith.constant 0 : i32
      %eq3A_302 = vector.broadcast %eq3A_301 : i32 to vector<8x1024xi32>
      %eq3A_303 = arith.cmpi eq, %iota3A_68, %eq3A_302 : vector<8x1024xi32>
      %broadcast_in_dim3A_304 = vector.shape_cast %broadcast_in_dim3A_290 : vector<1x1024xf32> to vector<1x1024xf32>
      %broadcast_in_dim3A_305 = vector.broadcast %broadcast_in_dim3A_304 : vector<1x1024xf32> to vector<8x1024xf32>
      %select_n3A_306 = arith.select %eq3A_303, %broadcast_in_dim3A_305, %broadcast_in_dim3A_285 : vector<8x1024xi1>, vector<8x1024xf32>
      %eq3A_307 = arith.constant 0 : i32
      %eq3A_308 = vector.broadcast %eq3A_307 : i32 to vector<8x1024xi32>
      %eq3A_309 = arith.cmpi eq, %iota3A_68, %eq3A_308 : vector<8x1024xi32>
      %broadcast_in_dim3A_310 = vector.shape_cast %broadcast_in_dim3A_300 : vector<1x1024xi32> to vector<1x1024xi32>
      %broadcast_in_dim3A_311 = vector.broadcast %broadcast_in_dim3A_310 : vector<1x1024xi32> to vector<8x1024xi32>
      %select_n3A_312 = arith.select %eq3A_309, %broadcast_in_dim3A_311, %broadcast_in_dim3A_287 : vector<8x1024xi1>, vector<8x1024xi32>
      %eq3A_313 = vector.broadcast %add3A_13 : vector<2000x1xi32> to vector<2000x1024xi32>
      %eq3A_314 = vector.broadcast %broadcast_in_dim3A_300 : vector<1x1024xi32> to vector<2000x1024xi32>
      %eq3A_315 = arith.cmpi eq, %eq3A_313, %eq3A_314 : vector<2000x1024xi32>
      %jit3A_316 = arith.constant 1.000000e+30 : f32
      %broadcast_in_dim3A_317 = vector.broadcast %jit3A_316 : f32 to vector<2000x1024xf32>
      %select_n3A_318 = arith.select %eq3A_315, %broadcast_in_dim3A_317, %sub3A : vector<2000x1024xi1>, vector<2000x1024xf32>
      %reduce_min3A_319 = arith.constant dense<0x7F800000> : vector<1024xf32>
      %reduce_min3A_320 = vector.multi_reduction <minimumf>, %select_n3A_318, %reduce_min3A_319 [0] : vector<2000x1024xf32> to vector<1024xf32>
      %broadcast_in_dim3A_321 = vector.shape_cast %reduce_min3A_320 : vector<1024xf32> to vector<1x1024xf32>
      %eq3A_322 = vector.broadcast %broadcast_in_dim3A_321 : vector<1x1024xf32> to vector<2000x1024xf32>
      %eq3A_323 = arith.cmpf oeq, %select_n3A_318, %eq3A_322 : vector<2000x1024xf32>
      %jit3A_324 = arith.constant 2147483647 : i32
      %broadcast_in_dim3A_325 = vector.shape_cast %add3A_13 : vector<2000x1xi32> to vector<2000x1xi32>
      %broadcast_in_dim3A_326 = vector.broadcast %broadcast_in_dim3A_325 : vector<2000x1xi32> to vector<2000x1024xi32>
      %broadcast_in_dim3A_327 = vector.broadcast %jit3A_324 : i32 to vector<2000x1024xi32>
      %select_n3A_328 = arith.select %eq3A_323, %broadcast_in_dim3A_326, %broadcast_in_dim3A_327 : vector<2000x1024xi1>, vector<2000x1024xi32>
      %reduce_min3A_329 = arith.constant dense<2147483647> : vector<1024xi32>
      %reduce_min3A_330 = vector.multi_reduction <minsi>, %select_n3A_328, %reduce_min3A_329 [0] : vector<2000x1024xi32> to vector<1024xi32>
      %broadcast_in_dim3A_331 = vector.shape_cast %reduce_min3A_330 : vector<1024xi32> to vector<1x1024xi32>
      %eq3A_332 = arith.constant 1 : i32
      %eq3A_333 = vector.broadcast %eq3A_332 : i32 to vector<8x1024xi32>
      %eq3A_334 = arith.cmpi eq, %iota3A_68, %eq3A_333 : vector<8x1024xi32>
      %broadcast_in_dim3A_335 = vector.shape_cast %broadcast_in_dim3A_321 : vector<1x1024xf32> to vector<1x1024xf32>
      %broadcast_in_dim3A_336 = vector.broadcast %broadcast_in_dim3A_335 : vector<1x1024xf32> to vector<8x1024xf32>
      %select_n3A_337 = arith.select %eq3A_334, %broadcast_in_dim3A_336, %select_n3A_306 : vector<8x1024xi1>, vector<8x1024xf32>
      %eq3A_338 = arith.constant 1 : i32
      %eq3A_339 = vector.broadcast %eq3A_338 : i32 to vector<8x1024xi32>
      %eq3A_340 = arith.cmpi eq, %iota3A_68, %eq3A_339 : vector<8x1024xi32>
      %broadcast_in_dim3A_341 = vector.shape_cast %broadcast_in_dim3A_331 : vector<1x1024xi32> to vector<1x1024xi32>
      %broadcast_in_dim3A_342 = vector.broadcast %broadcast_in_dim3A_341 : vector<1x1024xi32> to vector<8x1024xi32>
      %select_n3A_343 = arith.select %eq3A_340, %broadcast_in_dim3A_342, %select_n3A_312 : vector<8x1024xi1>, vector<8x1024xi32>
      %eq3A_344 = vector.broadcast %add3A_13 : vector<2000x1xi32> to vector<2000x1024xi32>
      %eq3A_345 = vector.broadcast %broadcast_in_dim3A_331 : vector<1x1024xi32> to vector<2000x1024xi32>
      %eq3A_346 = arith.cmpi eq, %eq3A_344, %eq3A_345 : vector<2000x1024xi32>
      %jit3A_347 = arith.constant 1.000000e+30 : f32
      %broadcast_in_dim3A_348 = vector.broadcast %jit3A_347 : f32 to vector<2000x1024xf32>
      %select_n3A_349 = arith.select %eq3A_346, %broadcast_in_dim3A_348, %select_n3A_318 : vector<2000x1024xi1>, vector<2000x1024xf32>
      %reduce_min3A_350 = arith.constant dense<0x7F800000> : vector<1024xf32>
      %reduce_min3A_351 = vector.multi_reduction <minimumf>, %select_n3A_349, %reduce_min3A_350 [0] : vector<2000x1024xf32> to vector<1024xf32>
      %broadcast_in_dim3A_352 = vector.shape_cast %reduce_min3A_351 : vector<1024xf32> to vector<1x1024xf32>
      %eq3A_353 = vector.broadcast %broadcast_in_dim3A_352 : vector<1x1024xf32> to vector<2000x1024xf32>
      %eq3A_354 = arith.cmpf oeq, %select_n3A_349, %eq3A_353 : vector<2000x1024xf32>
      %jit3A_355 = arith.constant 2147483647 : i32
      %broadcast_in_dim3A_356 = vector.shape_cast %add3A_13 : vector<2000x1xi32> to vector<2000x1xi32>
      %broadcast_in_dim3A_357 = vector.broadcast %broadcast_in_dim3A_356 : vector<2000x1xi32> to vector<2000x1024xi32>
      %broadcast_in_dim3A_358 = vector.broadcast %jit3A_355 : i32 to vector<2000x1024xi32>
      %select_n3A_359 = arith.select %eq3A_354, %broadcast_in_dim3A_357, %broadcast_in_dim3A_358 : vector<2000x1024xi1>, vector<2000x1024xi32>
      %reduce_min3A_360 = arith.constant dense<2147483647> : vector<1024xi32>
      %reduce_min3A_361 = vector.multi_reduction <minsi>, %select_n3A_359, %reduce_min3A_360 [0] : vector<2000x1024xi32> to vector<1024xi32>
      %broadcast_in_dim3A_362 = vector.shape_cast %reduce_min3A_361 : vector<1024xi32> to vector<1x1024xi32>
      %eq3A_363 = arith.constant 2 : i32
      %eq3A_364 = vector.broadcast %eq3A_363 : i32 to vector<8x1024xi32>
      %eq3A_365 = arith.cmpi eq, %iota3A_68, %eq3A_364 : vector<8x1024xi32>
      %broadcast_in_dim3A_366 = vector.shape_cast %broadcast_in_dim3A_352 : vector<1x1024xf32> to vector<1x1024xf32>
      %broadcast_in_dim3A_367 = vector.broadcast %broadcast_in_dim3A_366 : vector<1x1024xf32> to vector<8x1024xf32>
      %select_n3A_368 = arith.select %eq3A_365, %broadcast_in_dim3A_367, %select_n3A_337 : vector<8x1024xi1>, vector<8x1024xf32>
      %eq3A_369 = arith.constant 2 : i32
      %eq3A_370 = vector.broadcast %eq3A_369 : i32 to vector<8x1024xi32>
      %eq3A_371 = arith.cmpi eq, %iota3A_68, %eq3A_370 : vector<8x1024xi32>
      %broadcast_in_dim3A_372 = vector.shape_cast %broadcast_in_dim3A_362 : vector<1x1024xi32> to vector<1x1024xi32>
      %broadcast_in_dim3A_373 = vector.broadcast %broadcast_in_dim3A_372 : vector<1x1024xi32> to vector<8x1024xi32>
      %select_n3A_374 = arith.select %eq3A_371, %broadcast_in_dim3A_373, %select_n3A_343 : vector<8x1024xi1>, vector<8x1024xi32>
      %eq3A_375 = vector.broadcast %add3A_13 : vector<2000x1xi32> to vector<2000x1024xi32>
      %eq3A_376 = vector.broadcast %broadcast_in_dim3A_362 : vector<1x1024xi32> to vector<2000x1024xi32>
      %eq3A_377 = arith.cmpi eq, %eq3A_375, %eq3A_376 : vector<2000x1024xi32>
      %jit3A_378 = arith.constant 1.000000e+30 : f32
      %broadcast_in_dim3A_379 = vector.broadcast %jit3A_378 : f32 to vector<2000x1024xf32>
      %select_n3A_380 = arith.select %eq3A_377, %broadcast_in_dim3A_379, %select_n3A_349 : vector<2000x1024xi1>, vector<2000x1024xf32>
      %reduce_min3A_381 = arith.constant dense<0x7F800000> : vector<1024xf32>
      %reduce_min3A_382 = vector.multi_reduction <minimumf>, %select_n3A_380, %reduce_min3A_381 [0] : vector<2000x1024xf32> to vector<1024xf32>
      %broadcast_in_dim3A_383 = vector.shape_cast %reduce_min3A_382 : vector<1024xf32> to vector<1x1024xf32>
      %eq3A_384 = vector.broadcast %broadcast_in_dim3A_383 : vector<1x1024xf32> to vector<2000x1024xf32>
      %eq3A_385 = arith.cmpf oeq, %select_n3A_380, %eq3A_384 : vector<2000x1024xf32>
      %jit3A_386 = arith.constant 2147483647 : i32
      %broadcast_in_dim3A_387 = vector.shape_cast %add3A_13 : vector<2000x1xi32> to vector<2000x1xi32>
      %broadcast_in_dim3A_388 = vector.broadcast %broadcast_in_dim3A_387 : vector<2000x1xi32> to vector<2000x1024xi32>
      %broadcast_in_dim3A_389 = vector.broadcast %jit3A_386 : i32 to vector<2000x1024xi32>
      %select_n3A_390 = arith.select %eq3A_385, %broadcast_in_dim3A_388, %broadcast_in_dim3A_389 : vector<2000x1024xi1>, vector<2000x1024xi32>
      %reduce_min3A_391 = arith.constant dense<2147483647> : vector<1024xi32>
      %reduce_min3A_392 = vector.multi_reduction <minsi>, %select_n3A_390, %reduce_min3A_391 [0] : vector<2000x1024xi32> to vector<1024xi32>
      %broadcast_in_dim3A_393 = vector.shape_cast %reduce_min3A_392 : vector<1024xi32> to vector<1x1024xi32>
      %eq3A_394 = arith.constant 3 : i32
      %eq3A_395 = vector.broadcast %eq3A_394 : i32 to vector<8x1024xi32>
      %eq3A_396 = arith.cmpi eq, %iota3A_68, %eq3A_395 : vector<8x1024xi32>
      %broadcast_in_dim3A_397 = vector.shape_cast %broadcast_in_dim3A_383 : vector<1x1024xf32> to vector<1x1024xf32>
      %broadcast_in_dim3A_398 = vector.broadcast %broadcast_in_dim3A_397 : vector<1x1024xf32> to vector<8x1024xf32>
      %select_n3A_399 = arith.select %eq3A_396, %broadcast_in_dim3A_398, %select_n3A_368 : vector<8x1024xi1>, vector<8x1024xf32>
      %eq3A_400 = arith.constant 3 : i32
      %eq3A_401 = vector.broadcast %eq3A_400 : i32 to vector<8x1024xi32>
      %eq3A_402 = arith.cmpi eq, %iota3A_68, %eq3A_401 : vector<8x1024xi32>
      %broadcast_in_dim3A_403 = vector.shape_cast %broadcast_in_dim3A_393 : vector<1x1024xi32> to vector<1x1024xi32>
      %broadcast_in_dim3A_404 = vector.broadcast %broadcast_in_dim3A_403 : vector<1x1024xi32> to vector<8x1024xi32>
      %select_n3A_405 = arith.select %eq3A_402, %broadcast_in_dim3A_404, %select_n3A_374 : vector<8x1024xi1>, vector<8x1024xi32>
      %eq3A_406 = vector.broadcast %add3A_13 : vector<2000x1xi32> to vector<2000x1024xi32>
      %eq3A_407 = vector.broadcast %broadcast_in_dim3A_393 : vector<1x1024xi32> to vector<2000x1024xi32>
      %eq3A_408 = arith.cmpi eq, %eq3A_406, %eq3A_407 : vector<2000x1024xi32>
      %jit3A_409 = arith.constant 1.000000e+30 : f32
      %broadcast_in_dim3A_410 = vector.broadcast %jit3A_409 : f32 to vector<2000x1024xf32>
      %select_n3A_411 = arith.select %eq3A_408, %broadcast_in_dim3A_410, %select_n3A_380 : vector<2000x1024xi1>, vector<2000x1024xf32>
      %reduce_min3A_412 = arith.constant dense<0x7F800000> : vector<1024xf32>
      %reduce_min3A_413 = vector.multi_reduction <minimumf>, %select_n3A_411, %reduce_min3A_412 [0] : vector<2000x1024xf32> to vector<1024xf32>
      %broadcast_in_dim3A_414 = vector.shape_cast %reduce_min3A_413 : vector<1024xf32> to vector<1x1024xf32>
      %eq3A_415 = vector.broadcast %broadcast_in_dim3A_414 : vector<1x1024xf32> to vector<2000x1024xf32>
      %eq3A_416 = arith.cmpf oeq, %select_n3A_411, %eq3A_415 : vector<2000x1024xf32>
      %jit3A_417 = arith.constant 2147483647 : i32
      %broadcast_in_dim3A_418 = vector.shape_cast %add3A_13 : vector<2000x1xi32> to vector<2000x1xi32>
      %broadcast_in_dim3A_419 = vector.broadcast %broadcast_in_dim3A_418 : vector<2000x1xi32> to vector<2000x1024xi32>
      %broadcast_in_dim3A_420 = vector.broadcast %jit3A_417 : i32 to vector<2000x1024xi32>
      %select_n3A_421 = arith.select %eq3A_416, %broadcast_in_dim3A_419, %broadcast_in_dim3A_420 : vector<2000x1024xi1>, vector<2000x1024xi32>
      %reduce_min3A_422 = arith.constant dense<2147483647> : vector<1024xi32>
      %reduce_min3A_423 = vector.multi_reduction <minsi>, %select_n3A_421, %reduce_min3A_422 [0] : vector<2000x1024xi32> to vector<1024xi32>
      %broadcast_in_dim3A_424 = vector.shape_cast %reduce_min3A_423 : vector<1024xi32> to vector<1x1024xi32>
      %eq3A_425 = arith.constant 4 : i32
      %eq3A_426 = vector.broadcast %eq3A_425 : i32 to vector<8x1024xi32>
      %eq3A_427 = arith.cmpi eq, %iota3A_68, %eq3A_426 : vector<8x1024xi32>
      %broadcast_in_dim3A_428 = vector.shape_cast %broadcast_in_dim3A_414 : vector<1x1024xf32> to vector<1x1024xf32>
      %broadcast_in_dim3A_429 = vector.broadcast %broadcast_in_dim3A_428 : vector<1x1024xf32> to vector<8x1024xf32>
      %select_n3A_430 = arith.select %eq3A_427, %broadcast_in_dim3A_429, %select_n3A_399 : vector<8x1024xi1>, vector<8x1024xf32>
      %eq3A_431 = arith.constant 4 : i32
      %eq3A_432 = vector.broadcast %eq3A_431 : i32 to vector<8x1024xi32>
      %eq3A_433 = arith.cmpi eq, %iota3A_68, %eq3A_432 : vector<8x1024xi32>
      %broadcast_in_dim3A_434 = vector.shape_cast %broadcast_in_dim3A_424 : vector<1x1024xi32> to vector<1x1024xi32>
      %broadcast_in_dim3A_435 = vector.broadcast %broadcast_in_dim3A_434 : vector<1x1024xi32> to vector<8x1024xi32>
      %select_n3A_436 = arith.select %eq3A_433, %broadcast_in_dim3A_435, %select_n3A_405 : vector<8x1024xi1>, vector<8x1024xi32>
      %reshape3A_437 = vector.shape_cast %select_n3A_430 : vector<8x1024xf32> to vector<1x8x1024xf32>
      %swap3A_438 = arith.constant 0 : index
      %swap3A_439 = arith.constant 0 : index
      %swap3A_440 = arith.constant 0 : index
      %swap3A_441 = vector.load %arg3[%swap3A_438, %swap3A_439, %swap3A_440] : memref<1x8x1024xf32, #tpu.memory_space<vmem>>, vector<1x8x1024xf32>
      tpu.vector_store %arg3[%swap3A_438, %swap3A_439, %swap3A_440], %reshape3A_437 {strides = array<i32>} : memref<1x8x1024xf32, #tpu.memory_space<vmem>>, vector<1x8x1024xf32>,
      %reshape3A_442 = vector.shape_cast %select_n3A_436 : vector<8x1024xi32> to vector<1x8x1024xi32>
      %swap3A_443 = arith.constant 0 : index
      %swap3A_444 = arith.constant 0 : index
      %swap3A_445 = arith.constant 0 : index
      %swap3A_446 = vector.load %arg4[%swap3A_443, %swap3A_444, %swap3A_445] : memref<1x8x1024xi32, #tpu.memory_space<vmem>>, vector<1x8x1024xi32>
      tpu.vector_store %arg4[%swap3A_443, %swap3A_444, %swap3A_445], %reshape3A_442 {strides = array<i32>} : memref<1x8x1024xi32, #tpu.memory_space<vmem>>, vector<1x8x1024xi32>,
    } else {
    }
    return
  }
  func.func @transform_0(%arg0: i32) -> (i32, i32) {
    %c0_i32 = arith.constant 0 : i32
    %c0_i32_0 = arith.constant 0 : i32
    return %arg0, %c0_i32 : i32, i32
  }
  func.func @transform_1(%arg0: i32) -> (i32, i32) {
    %c0_i32 = arith.constant 0 : i32
    %c0_i32_0 = arith.constant 0 : i32
    %c0_i32_1 = arith.constant 0 : i32
    return %c0_i32, %c0_i32_0 : i32, i32
  }
  func.func @transform_2(%arg0: i32) -> (i32, i32, i32) {
    %c0_i32 = arith.constant 0 : i32
    %c0_i32_0 = arith.constant 0 : i32
    %c0_i32_1 = arith.constant 0 : i32
    return %arg0, %c0_i32, %c0_i32_0 : i32, i32, i32
  }
  func.func @transform_3(%arg0: i32) -> (i32, i32, i32) {
    %c0_i32 = arith.constant 0 : i32
    %c0_i32_0 = arith.constant 0 : i32
    %c0_i32_1 = arith.constant 0 : i32
    return %arg0, %c0_i32, %c0_i32_0 : i32, i32, i32
  }
}

</mosaic_0001>

<sc_bundles>
// kernel: kernel.5.cloned.1.call-start
scs
__scs_entry_jumppad:
0x0: {  	(pc) =	sbr.rel $0x88, $3  }
0x1: {  	(tag) =	ssettag $0x0;
	lr =	simm.s32 $0x1  }
0x2: {  	[smem:$0x3F9D] =	sst lr;
	_ =	strace $0xD0000000  }
0x3: {  	_ = 	snop  }
0x4: {  	_ = 	snop  }
0x5: {  	_ = 	snop  }
0x6: {  	_ = 	snop  }
0x7: {  	_ = 	snop  }
__scs_overlays_trampoline_lowered:
0x8: {  	[smem:$0x3FAC] =	sst s0  }
0x9: {  	[smem:$0x3FAD] =	sst s1  }
0xa: {  	[smem:$0x3FAE] =	sst s2  }
0xb: {  	[smem:$0x3FAF] =	sst s3  }
0xc: {  	[smem:$0x3FB0] =	sst s4  }
0xd: {  	[smem:$0x3FB1] =	sst s5  }
0xe: {  	[smem:$0x3FB2] =	sst s6  }
0xf: {  	[smem:$0x3FB3] =	sst s7  }
0x10: {  	[smem:$0x3FB4] =	sst s8  }
0x11: {  	[smem:$0x3FB5] =	sst s9;
	s0 =	simm.s32 @!p0 $0x0  }
0x12: {  	s1 =	sld [smem:$0x3F9B];
	s0 =	simm.s32 @p0 $0x1  }
0x13: {  	[smem:$0x3FB6] =	sst s0;
	s0 =	simm.s32 @!p1 $0x0  }
0x14: {  	s2 =	sld [smem:$0x3F9A];
	s0 =	simm.s32 @p1 $0x1  }
0x15: {  	[smem:$0x3FB7] =	sst s0;
	s0 =	simm.s32 @!p2 $0x0  }
0x16: {  	s3 =	sld [smem:$0x3FDB];
	s0 =	simm.s32 @p2 $0x1  }
0x17: {  	s4 =	simm.s32 $0x1BF5;
	[smem:$0x3FB9] =	sst s0  }
0x18: {  	s0 =	sld [smem:$0x3F9C];
	_ =	swait.ge [sflag:s4], $0x0  }
0x19: {  	s7 =	sld [smem:$0x3F9D]  }
0x1a: {  	s8 =	sadd.s32 $0xFFFFE003, lr  }
0x1b: {  	s9 =	sadd.s32 $0xFFFFFEF7, lr;
	s5 =	simm.s32 $0xFFFFFFFF;
	p2 =	slt.u32 s8, $0xFFFFF086  }
0x1c: {  	p1 =	slt.u32 s9, $0xF7A;
	s5 =	simm.s32 @!p2 $0x0  }
0x1d: {  	s5 =	simm.s32 @p1 $0x1;
	p0 =	seq.s32 s7, s2  }
0x1e: {  	s7 =	smul.u32 @!p0 $0xF7A, s2;
	p2 =	seq.s32 @!p0 s5, $0x0  }
0x1f: {  	s9 =	smul.u32 $0xF7A, s1;
	s8 =	simm.s32 @!p0 $0x1BF5;
	p2 =	por !p2, p0  }
0x20: {  	[sflag:s8] =	ssyncset.s32 @!p0 $0xFFFFF086;
	s6 =	sadd.s32 @!p0 s3, s7;
	s7 =	simm.s32 @!p0 $0x108  }
0x21: {  	s3 =	sadd.s32 s3, s9;
	s6 =	sadd.s32 @!p0 $0x88, s6;
	s7 =	simm.s32 @p2 $0x1082  }
0x22: {  	[simem:s7], [sflag:s8] =	dma.local @!p0 [hbm:s6], $0xF7A  }
0x23: {  	s9 =	sor.u32 $0xD0000000, s2;
	s6 =	simm.s32 $0x108;
	_ =	swait.ge @!p0 [sflag:s8], $0x0  }
0x24: {  	s3 =	sadd.s32 $0x88, s3;
	s6 =	simm.s32 @!p1 $0x1082;
	[sflag:s4] =	ssyncset.s32 $0xFFFFF086  }
0x25: {  	[simem:s6], [sflag:s4] =	dma.local [hbm:s3], $0xF7A  }
0x26: {  	[smem:$0x3F9D] =	sst s1;
	(tag) =	ssettag s2;
	_ =	strace s9  }
0x27: {  	s1 =	sld [smem:$0x3FAD]  }
0x28: {  	s2 =	sld [smem:$0x3FAE]  }
0x29: {  	s4 =	sld [smem:$0x3FB0]  }
0x2a: {  	p0 =	seq.s32 s5, $0x0;
	s5 =	sld [smem:$0x3FB1]  }
0x2b: {  	s6 =	sld [smem:$0x3FB2]  }
0x2c: {  	s7 =	sld [smem:$0x3FB3]  }
0x2d: {  	s3 =	simm.s32 $0x108;
	s8 =	sld [smem:$0x3FB4]  }
0x2e: {  	s3 =	simm.s32 @!p0 $0x1082;
	s9 =	sld [smem:$0x3FB5]  }
0x2f: {  	lr =	sadd.s32 s0, s3;
	s0 =	sld [smem:$0x3FAC]  }
0x30: {  	s3 =	sld [smem:$0x3FAF]  }
0x31: {  	[smem:$0x3FB8] =	sst s10  }
0x32: {  	s10 =	sld [smem:$0x3FB6];
	_ =	sdelay $0x3  }
0x33: {  	p0 =	seq.s32 s10, $0x1;
	s10 =	sld [smem:$0x3FB8];
	_ =	sdelay $0x3  }
0x34: {  	[smem:$0x3FB8] =	sst s10  }
0x35: {  	s10 =	sld [smem:$0x3FB7];
	_ =	sdelay $0x3  }
0x36: {  	p1 =	seq.s32 s10, $0x1;
	s10 =	sld [smem:$0x3FB8];
	_ =	sdelay $0x3  }
0x37: {  	[smem:$0x3FB8] =	sst s10  }
0x38: {  	s10 =	sld [smem:$0x3FB9]  }
0x39: {  	_ = 	snop;
	(pc) =	sbr.ind lr, $3  }
0x3a: {  	_ = 	snop  }
0x3b: {  	_ = 	snop  }
0x3c: {  	p2 =	seq.s32 s10, $0x1;
	s10 =	sld [smem:$0x3FB8]  }
0x3d: {  	_ =	shalt  }
0x3e: {  	_ =	shalt  }
0x3f: {  	_ =	shalt  }
0x40: {  	_ =	shalt  }
0x41: {  	_ =	shalt  }
0x42: {  	_ =	shalt  }
0x43: {  	_ =	shalt  }
0x44: {  	_ =	shalt  }
0x45: {  	_ =	shalt  }
0x46: {  	_ =	shalt  }
0x47: {  	_ =	shalt  }
0x48: {  	_ =	shalt  }
0x49: {  	_ =	shalt  }
0x4a: {  	_ =	shalt  }
0x4b: {  	_ =	shalt  }
0x4c: {  	_ =	shalt  }
0x4d: {  	_ =	shalt  }
0x4e: {  	_ =	shalt  }
0x4f: {  	_ =	shalt  }
0x50: {  	_ =	shalt  }
0x51: {  	_ =	shalt  }
0x52: {  	_ =	shalt  }
0x53: {  	_ =	shalt  }
0x54: {  	_ =	shalt  }
0x55: {  	_ =	shalt  }
0x56: {  	_ =	shalt  }
0x57: {  	_ =	shalt  }
0x58: {  	_ =	shalt  }
0x59: {  	_ =	shalt  }
0x5a: {  	_ =	shalt  }
0x5b: {  	_ =	shalt  }
0x5c: {  	_ =	shalt  }
0x5d: {  	_ =	shalt  }
0x5e: {  	_ =	shalt  }
0x5f: {  	_ =	shalt  }
0x60: {  	_ =	shalt  }
0x61: {  	_ =	shalt  }
0x62: {  	_ =	shalt  }
0x63: {  	_ =	shalt  }
0x64: {  	_ =	shalt  }
0x65: {  	_ =	shalt  }
0x66: {  	_ =	shalt  }
0x67: {  	_ =	shalt  }
0x68: {  	_ =	shalt  }
0x69: {  	_ =	shalt  }
0x6a: {  	_ =	shalt  }
0x6b: {  	_ =	shalt  }
0x6c: {  	_ =	shalt  }
0x6d: {  	_ =	shalt  }
0x6e: {  	_ =	shalt  }
0x6f: {  	_ =	shalt  }
0x70: {  	_ =	shalt  }
0x71: {  	_ =	shalt  }
0x72: {  	_ =	shalt  }
0x73: {  	_ =	shalt  }
0x74: {  	_ =	shalt  }
0x75: {  	_ =	shalt  }
0x76: {  	_ =	shalt  }
0x77: {  	_ =	shalt  }
0x78: {  	_ =	shalt  }
0x79: {  	_ =	shalt  }
0x7a: {  	_ =	shalt  }
0x7b: {  	_ =	shalt  }
0x7c: {  	_ =	shalt  }
0x7d: {  	_ =	shalt  }
0x7e: {  	_ =	shalt  }
0x7f: {  	_ =	shalt  }
0x80: {  	_ =	shalt  }
0x81: {  	_ =	shalt  }
0x82: {  	_ =	shalt  }
0x83: {  	_ =	shalt  }
0x84: {  	_ =	shalt  }
0x85: {  	_ =	shalt  }
0x86: {  	_ =	shalt  }
0x87: {  	_ =	shalt  }
.Lfunc_end0:
.L_simem_size_0:
called_computation_lowered:
.L_overlay_start_0:
0x88: {  	s2 =	sld [smem:$0x3FD9]  }
0x89: {  	s3 =	sld [smem:$0x3FFE];
	_ =	sdelay $0x1  }
0x8a: {  	s1 =	srdreg.scid  }
0x8b: {  	s0 =	sand.u32 $0x1, s1  }
0x8c: {  	s14 =	sshll.u32 s0, $0xA;
	s2 =	sadd.s32 s3, s2  }
0x8d: {  	s2 =	sadd.s32 s2, s14  }
0x8e: {  	[smem:$0x3FC4] =	sst s2  }
0x8f: {  	_ = 	snop  }
0x90: {  	s2 =	sld [smem:$0x3FD0];
	_ =	sdelay $0x2  }
0x91: {  	s4 =	simm.s32 $0xA;
	s5 =	simm.s32 $0x10;
	s15 =	sld [smem:$0x3FC7]  }
0x92: {  	[smem:s5], [sflag:s4] =	dma.local [hbm:s2], $0x1  }
0x93: {  	_ =	swait.eq [sflag:s4], $0x1  }
0x94: {  	[sflag:s4] =	ssyncset.done $0x0  }
0x95: {  	[sflag:s4] =	ssyncadd.s32 $0xFFFFFFFF  }
0x96: {  	s16 =	sld [smem:$0x10];
	(tm) =	ssettm $0x1  }
0x97: {  	s17 =	sld [smem:$0x3FFB];
	_ =	sdelay $0x3  }
0x98: {  	_ =	strace s17  }
0x99: {  	s4 =	sld [smem:$0x3FFC];
	_ =	sdelay $0x3  }
0x9a: {  	_ =	strace s4  }
0x9b: {  	s4 =	sld [smem:$0x3FFD];
	_ =	sdelay $0x3  }
0x9c: {  	_ =	strace s4  }
0x9d: {  	_ =	strace $0x8FFFFFFF  }
0x9e: {  	s18 =	sld [smem:$0x3FDB];
	_ =	sdelay $0x1  }
0x9f: {  	s19 =	simm.s32 $_scs_section_size  }
0xa0: {  	s6 =	simm.s32 $_size__tile_overlayer_lowered;
	s7 =	simm.s32 $_tile_overlayer_lowered  }
0xa1: {  	s22 =	simm.s32 $0x1BFF;
	s21 =	sshll.u32 s7, $0x1;
	s4 =	sadd.s32 s19, s18  }
0xa2: {  	s8 =	simm.s32 $0x0;
	s20 =	sshll.u32 s6, $0x1;
	s6 =	sadd.s32 s21, s4  }
0xa3: {  	[timem:s8], [sflag:s22] =	dma.local [hbm:s6], s20  }
0xa4: {  	_ =	swait.ge [sflag:s22], s20  }
0xa5: {  	s5 =	ssub.s32 $0x0, s20;
	[sflag:s22] =	ssyncset.done $0x0  }
0xa6: {  	[sflag:s22] =	ssyncadd.s32 s5;
	_ =	sdelay $0x1  }
0xa7: {  	s23 =	simm.s32 $0x1B8B  }
0xa8: {  	_ =	swait.ge [sflag:s23], $0x1  }
0xa9: {  	[sflag:s23] =	ssyncset.done $0x0  }
0xaa: {  	s25 =	simm.s32 $0x1B8E;
	s24 =	sld [smem:$0x3FFE];
	[sflag:s23] =	ssyncadd.s32 $0xFFFFFFFF  }
0xab: {  	s26 =	simm.s32 $execute0_lowered;
	[smem:$0x3FD2] =	sst s25  }
0xac: {  	s6 =	sshll.u32 s26, $0x1;
	_ =	strace $0x80000046;
	[dreg:$0x1] =	wrdreg $0xFFFFFFFF  }
0xad: {  	s28 =	simm.s32 $_size_execute0_lowered;
	s4 =	sadd.s32 s4, s6;
	[dreg:$0x0] =	wrdreg $0x0  }
0xae: {  	s6 =	sshll.u32 s28, $0x1;
	[dreg:$0x2] =	wrdreg s4  }
0xaf: {  	[dreg:$0x3] =	wrdreg s6  }
0xb0: {  	[dreg:$0x4] =	wrdreg $0xC0  }
0xb1: {  	_ =	task [dreg:s8], $0x5FFFF  }
0xb2: {  	[dreg:$0x1] =	wrdreg $0xFFFFFFFF  }
0xb3: {  	[dreg:$0x0] =	wrdreg $0x60  }
0xb4: {  	[dreg:$0x2] =	wrdreg s15  }
0xb5: {  	[dreg:$0x3] =	wrdreg s24  }
0xb6: {  	[dreg:$0x4] =	wrdreg s16  }
0xb7: {  	[dreg:$0x5] =	wrdreg $0x9  }
0xb8: {  	_ =	task.clear_ibuf [dreg:s8], $0x6FFFF;
	_ =	strace $0x90000046  }
0xb9: {  	s29 =	simm.s32 $0x9;
	_ =	strace $0x80000048  }
0xba: {  	_ =	swait.ge [sflag:s29], $0x1  }
0xbb: {  	[sflag:s29] =	ssyncadd.s32 $0xFFFFFFFF  }
0xbc: {  	_ =	strace $0x90000048  }
0xbd: {  	_ =	sfence  }
0xbe: {  	s30 =	sld [smem:$0x0];
	_ =	sdelay $0x2  }
0xbf: {  	s31 =	sshll.u32 s1, $0xD;
	s1 =	sshrl.u32 s1, $0x2  }
0xc0: {  	s3 =	sand.u32 $0x4000, s31;
	s1 =	sadd.s32 s1, s30  }
0xc1: {  	s0 =	sor.u32 s3, s0;
	s1 =	sshll.u32 s1, $0x11  }
0xc2: {  	s0 =	sor.u32 s1, s0  }
0xc3: {  	s0 =	sadd.s32 $0x8F2B, s0  }
0xc4: {  	[sflag:s0] =	ssyncadd.remote.s32 $0x1  }
0xc5: {  	_ =	sfence.sel $0xFFFF  }
0xc6: {  	[dreg:$0x0] =	wrdreg $0xFFFFFFFF;
	(pc) =	sbr.abs _section_cstart, $3  }
0xc7: {  	[dreg:$0x1] =	wrdreg $0xFFFFFFFF  }
0xc8: {  	_ =	task.clear_ibuf [dreg:s8], $0x2FFFF;
	_ =	strace $0x9FFFFFFF  }
0xc9: {  	(tm) =	ssettm $0x7FFFFFFF  }
tec
execute0_lowered:
.L_overlay_start_1:
0x0: {  	(tag) =	ssettag $0x1  }
0x1: {  	s1 =	rddreg [dreg:$0x0]  }
0x2: {  	s4 =	rddreg [dreg:$0x1];
	s2 =	srdreg.scid  }
0x3: {  	s0 =	stileid.u32;
	s5 =	rddreg [dreg:$0x2];
	s3 =	simm.s32 $0x0  }
0x4: {  	s10 =	simm.s32 $0x1;
	s11 =	simm.s32 $0x5100;
	s12 =	simm.s32 $0x0  }
0x5: {  	s6 =	sand.u32 $0x1, s2;
	s7 =	sshll.u32 s0, $0x1;
	s2 =	rddreg [dreg:$0x3]  }
0x6: {  	[smem:$0x7FF] =	sst s3;
	s7 =	sor.u32 s6, s7;
	s6 =	ssub.s32 $0x2, s6  }
0x7: {  	s8 =	smul.u32 $0x14, s7;
	s9 =	sshrl.u32 s6, $0x1;
	s7 =	sshll.u32 s7, $0x9  }
0x8: {  	_ =	strace $0x80000047;
	s6 =	ssub.s32 s6, s9;
	s5 =	sadd.s32 s5, s7  }
0x9: {  	s7 =	simm.s32 $0x2;
	s9 =	simm.s32 $0x100;
	s4 =	sadd.s32 s8, s4  }
0xa: {  	s6 =	smax.u32 s6, $0x1;
	s8 =	simm.s32 $0xA0;
	s4 =	sadd.s32 $0x800, s4  }
.LBB2_1:
0xb: {  	[tilespmem:s3], [sflag:$0x2] =	stream.linear.gather [hbm4b:s4+s3], $0xA0, $0x38;
	[tilespmem:$0x6100] =	vst v63  }
0xc: {  	_ =	swait.ge [sflag:s7], $0xA0  }
0xd: {  	[sflag:s7] =	ssyncset.done $0x0  }
0xe: {  	[sflag:s7] =	ssyncadd.s32 $0xFFFFFF60  }
0xf: {  	[tilespmem:s9], [sflag:$0x1] =	stream.indirect.gather [hbm4b:s1+s8], $0x80, s3, s8, $0xb8;
	[tilespmem:$0x6100] =	vst v63  }
0x10: {  	_ =	swait.ge [sflag:s10], $0x5000  }
0x11: {  	[sflag:s10] =	ssyncset.done $0x0  }
0x12: {  	s13 =	simm.s32 $0x240;
	[sflag:s10] =	ssyncadd.s32 $0xFFFFB000  }
0x13: {  	v0 =	vld [tilespmem:s13+$0xFFFFFF40]  }
0x14: {  	v1 =	vld [tilespmem:s13+$0xFFFFFEC0];
	_ =	sdelay $0x1  }
0x15: {  	v2 =	vld [tilespmem:s13+$0xFFFFFFC0];
	_ =	sdelay $0x1  }
0x16: {  	v3 =	vld [tilespmem:s13+$0x40]  }
0x17: {  	v0 =	vadd.f32 v0, v1  }
0x18: {  	v1 =	vld [tilespmem:s13+$0xC0]  }
0x19: {  	v0 =	vadd.f32 v2, v0;
	_ =	sdelay $0x1  }
0x1a: {  	v0 =	vadd.f32 v3, v0;
	_ =	sdelay $0x1  }
0x1b: {  	v0 =	vadd.f32 v1, v0;
	_ =	sdelay $0x1  }
0x1c: {  	v0 =	vmul.f32 $2.000000030e-01, v0  }
0x1d: {  	s14 =	simm.s32 $0x0  }
0x1e: {  	[tilespmem:s14+$0x5100] =	vst v0  }
0x1f: {  	v0 =	vld [tilespmem:s13+$0xFFFFFED0]  }
0x20: {  	v1 =	vld [tilespmem:s13+$0xFFFFFF50];
	_ =	sdelay $0x1  }
0x21: {  	v2 =	vld [tilespmem:s13+$0xFFFFFFD0];
	_ =	sdelay $0x1  }
0x22: {  	v3 =	vld [tilespmem:s13+$0x50]  }
0x23: {  	v0 =	vadd.f32 v1, v0  }
0x24: {  	v1 =	vld [tilespmem:s13+$0xD0]  }
0x25: {  	v0 =	vadd.f32 v2, v0;
	_ =	sdelay $0x1  }
0x26: {  	v0 =	vadd.f32 v3, v0;
	_ =	sdelay $0x1  }
0x27: {  	v0 =	vadd.f32 v1, v0;
	_ =	sdelay $0x1  }
0x28: {  	v0 =	vmul.f32 $2.000000030e-01, v0;
	_ =	sdelay $0x1  }
0x29: {  	[tilespmem:s14+$0x5110] =	vst v0  }
0x2a: {  	v0 =	vld [tilespmem:s13+$0xFFFFFEE0]  }
0x2b: {  	v1 =	vld [tilespmem:s13+$0xFFFFFF60];
	_ =	sdelay $0x1  }
0x2c: {  	v2 =	vld [tilespmem:s13+$0xFFFFFFE0];
	_ =	sdelay $0x1  }
0x2d: {  	v3 =	vld [tilespmem:s13+$0x60]  }
0x2e: {  	v0 =	vadd.f32 v1, v0  }
0x2f: {  	v1 =	vld [tilespmem:s13+$0xE0]  }
0x30: {  	v0 =	vadd.f32 v2, v0;
	_ =	sdelay $0x1  }
0x31: {  	v0 =	vadd.f32 v3, v0;
	_ =	sdelay $0x1  }
0x32: {  	v0 =	vadd.f32 v1, v0;
	_ =	sdelay $0x1  }
0x33: {  	v0 =	vmul.f32 $2.000000030e-01, v0;
	_ =	sdelay $0x1  }
0x34: {  	[tilespmem:s14+$0x5120] =	vst v0  }
0x35: {  	v0 =	vld [tilespmem:s13+$0xFFFFFEF0]  }
0x36: {  	v1 =	vld [tilespmem:s13+$0xFFFFFF70];
	_ =	sdelay $0x1  }
0x37: {  	v2 =	vld [tilespmem:s13+$0xFFFFFFF0];
	_ =	sdelay $0x1  }
0x38: {  	v3 =	vld [tilespmem:s13+$0x70]  }
0x39: {  	v0 =	vadd.f32 v1, v0  }
0x3a: {  	v1 =	vld [tilespmem:s13+$0xF0]  }
0x3b: {  	v0 =	vadd.f32 v2, v0;
	_ =	sdelay $0x1  }
0x3c: {  	v0 =	vadd.f32 v3, v0;
	_ =	sdelay $0x1  }
0x3d: {  	v0 =	vadd.f32 v1, v0;
	_ =	sdelay $0x1  }
0x3e: {  	v0 =	vmul.f32 $2.000000030e-01, v0;
	_ =	sdelay $0x1  }
0x3f: {  	[tilespmem:s14+$0x5130] =	vst v0  }
0x40: {  	v0 =	vld [tilespmem:s13+$0xFFFFFF00]  }
0x41: {  	v1 =	vld [tilespmem:s13+$0xFFFFFF80];
	_ =	sdelay $0x1  }
0x42: {  	v2 =	vld [tilespmem:s13+$0x0];
	_ =	sdelay $0x1  }
0x43: {  	v3 =	vld [tilespmem:s13+$0x80]  }
0x44: {  	v0 =	vadd.f32 v1, v0  }
0x45: {  	v1 =	vld [tilespmem:s13+$0x100]  }
0x46: {  	v0 =	vadd.f32 v2, v0;
	_ =	sdelay $0x1  }
0x47: {  	v0 =	vadd.f32 v3, v0;
	_ =	sdelay $0x1  }
0x48: {  	v0 =	vadd.f32 v1, v0;
	_ =	sdelay $0x1  }
0x49: {  	v0 =	vmul.f32 $2.000000030e-01, v0;
	_ =	sdelay $0x1  }
0x4a: {  	[tilespmem:s14+$0x5140] =	vst v0  }
0x4b: {  	v0 =	vld [tilespmem:s13+$0xFFFFFF10]  }
0x4c: {  	v1 =	vld [tilespmem:s13+$0xFFFFFF90];
	_ =	sdelay $0x1  }
0x4d: {  	v2 =	vld [tilespmem:s13+$0x10];
	_ =	sdelay $0x1  }
0x4e: {  	v3 =	vld [tilespmem:s13+$0x90]  }
0x4f: {  	v0 =	vadd.f32 v1, v0  }
0x50: {  	v1 =	vld [tilespmem:s13+$0x110]  }
0x51: {  	v0 =	vadd.f32 v2, v0;
	_ =	sdelay $0x1  }
0x52: {  	v0 =	vadd.f32 v3, v0;
	_ =	sdelay $0x1  }
0x53: {  	v0 =	vadd.f32 v1, v0;
	_ =	sdelay $0x1  }
0x54: {  	v0 =	vmul.f32 $2.000000030e-01, v0;
	_ =	sdelay $0x1  }
0x55: {  	[tilespmem:s14+$0x5150] =	vst v0  }
0x56: {  	v0 =	vld [tilespmem:s13+$0xFFFFFF20]  }
0x57: {  	v1 =	vld [tilespmem:s13+$0xFFFFFFA0];
	_ =	sdelay $0x1  }
0x58: {  	v2 =	vld [tilespmem:s13+$0x20];
	_ =	sdelay $0x1  }
0x59: {  	v3 =	vld [tilespmem:s13+$0xA0]  }
0x5a: {  	v0 =	vadd.f32 v1, v0  }
0x5b: {  	v1 =	vld [tilespmem:s13+$0x120]  }
0x5c: {  	v0 =	vadd.f32 v2, v0;
	_ =	sdelay $0x1  }
0x5d: {  	v0 =	vadd.f32 v3, v0;
	_ =	sdelay $0x1  }
0x5e: {  	v0 =	vadd.f32 v1, v0;
	_ =	sdelay $0x1  }
0x5f: {  	v0 =	vmul.f32 $2.000000030e-01, v0;
	_ =	sdelay $0x1  }
0x60: {  	[tilespmem:s14+$0x5160] =	vst v0  }
0x61: {  	v3 =	vld [tilespmem:s13+$0xFFFFFF30]  }
0x62: {  	v4 =	vld [tilespmem:s13+$0xFFFFFFB0];
	_ =	sdelay $0x1  }
0x63: {  	v2 =	vld [tilespmem:s13+$0x30];
	_ =	sdelay $0x1  }
0x64: {  	v0 =	vld [tilespmem:s13+$0xB0]  }
0x65: {  	s15 =	simm.s32 $0x200;
	v1 =	vld [tilespmem:s13+$0x130];
	v3 =	vadd.f32 v4, v3  }
.LBB2_2:
0x66: {  	p0 =	sne.s32 s15, $0x3E00  }
0x67: {  	s13 =	sadd.s32 $0x280, s13;
	s16 =	smov.u32 s15;
	s15 =	sadd.s32 $0x200, s15;
	v2 =	vadd.f32 v2, v3  }
0x68: {  	_ = 	snop  }
0x69: {  	v0 =	vadd.f32 v0, v2;
	_ =	sdelay $0x1  }
0x6a: {  	v0 =	vadd.f32 v1, v0;
	_ =	sdelay $0x1  }
0x6b: {  	v0 =	vmul.f32 $2.000000030e-01, v0;
	_ =	sdelay $0x1  }
0x6c: {  	[tilespmem:s14+$0x5170] =	vst v0  }
0x6d: {  	v0 =	vld [tilespmem:s13+$0xFFFFFF40]  }
0x6e: {  	v1 =	vld [tilespmem:s13+$0xFFFFFEC0]  }
0x6f: {  	v2 =	vld [tilespmem:s13+$0xFFFFFFC0];
	_ =	sdelay $0x2  }
0x70: {  	v3 =	vld [tilespmem:s13+$0x40]  }
0x71: {  	v0 =	vadd.f32 v0, v1  }
0x72: {  	v1 =	vld [tilespmem:s13+$0xC0]  }
0x73: {  	v0 =	vadd.f32 v2, v0;
	_ =	sdelay $0x1  }
0x74: {  	v0 =	vadd.f32 v3, v0;
	_ =	sdelay $0x1  }
0x75: {  	v0 =	vadd.f32 v1, v0;
	_ =	sdelay $0x1  }
0x76: {  	v0 =	vmul.f32 $2.000000030e-01, v0  }
0x77: {  	s14 =	sshra.s32 s16, $0x2  }
0x78: {  	[tilespmem:s14+$0x5100] =	vst v0  }
0x79: {  	v0 =	vld [tilespmem:s13+$0xFFFFFED0]  }
0x7a: {  	v1 =	vld [tilespmem:s13+$0xFFFFFF50];
	_ =	sdelay $0x1  }
0x7b: {  	v2 =	vld [tilespmem:s13+$0xFFFFFFD0];
	_ =	sdelay $0x1  }
0x7c: {  	v3 =	vld [tilespmem:s13+$0x50]  }
0x7d: {  	v0 =	vadd.f32 v1, v0  }
0x7e: {  	v1 =	vld [tilespmem:s13+$0xD0]  }
0x7f: {  	v0 =	vadd.f32 v2, v0;
	_ =	sdelay $0x1  }
0x80: {  	v0 =	vadd.f32 v3, v0;
	_ =	sdelay $0x1  }
0x81: {  	v0 =	vadd.f32 v1, v0;
	_ =	sdelay $0x1  }
0x82: {  	v0 =	vmul.f32 $2.000000030e-01, v0;
	_ =	sdelay $0x1  }
0x83: {  	[tilespmem:s14+$0x5110] =	vst v0  }
0x84: {  	v0 =	vld [tilespmem:s13+$0xFFFFFEE0]  }
0x85: {  	v1 =	vld [tilespmem:s13+$0xFFFFFF60];
	_ =	sdelay $0x1  }
0x86: {  	v2 =	vld [tilespmem:s13+$0xFFFFFFE0];
	_ =	sdelay $0x1  }
0x87: {  	v3 =	vld [tilespmem:s13+$0x60]  }
0x88: {  	v0 =	vadd.f32 v1, v0  }
0x89: {  	v1 =	vld [tilespmem:s13+$0xE0]  }
0x8a: {  	v0 =	vadd.f32 v2, v0;
	_ =	sdelay $0x1  }
0x8b: {  	v0 =	vadd.f32 v3, v0;
	_ =	sdelay $0x1  }
0x8c: {  	v0 =	vadd.f32 v1, v0;
	_ =	sdelay $0x1  }
0x8d: {  	v0 =	vmul.f32 $2.000000030e-01, v0;
	_ =	sdelay $0x1  }
0x8e: {  	[tilespmem:s14+$0x5120] =	vst v0  }
0x8f: {  	v0 =	vld [tilespmem:s13+$0xFFFFFEF0]  }
0x90: {  	v1 =	vld [tilespmem:s13+$0xFFFFFF70]  }
0x91: {  	v2 =	vld [tilespmem:s13+$0xFFFFFFF0];
	_ =	sdelay $0x2  }
0x92: {  	v3 =	vld [tilespmem:s13+$0x70]  }
0x93: {  	v0 =	vadd.f32 v1, v0  }
0x94: {  	v1 =	vld [tilespmem:s13+$0xF0]  }
0x95: {  	v0 =	vadd.f32 v2, v0;
	_ =	sdelay $0x1  }
0x96: {  	v0 =	vadd.f32 v3, v0;
	_ =	sdelay $0x1  }
0x97: {  	v0 =	vadd.f32 v1, v0;
	_ =	sdelay $0x1  }
0x98: {  	v0 =	vmul.f32 $2.000000030e-01, v0;
	_ =	sdelay $0x1  }
0x99: {  	[tilespmem:s14+$0x5130] =	vst v0  }
0x9a: {  	v0 =	vld [tilespmem:s13+$0xFFFFFF00]  }
0x9b: {  	v1 =	vld [tilespmem:s13+$0xFFFFFF80]  }
0x9c: {  	v2 =	vld [tilespmem:s13+$0x0];
	_ =	sdelay $0x2  }
0x9d: {  	v3 =	vld [tilespmem:s13+$0x80]  }
0x9e: {  	v0 =	vadd.f32 v1, v0  }
0x9f: {  	v1 =	vld [tilespmem:s13+$0x100]  }
0xa0: {  	v0 =	vadd.f32 v2, v0;
	_ =	sdelay $0x1  }
0xa1: {  	v0 =	vadd.f32 v3, v0;
	_ =	sdelay $0x1  }
0xa2: {  	v0 =	vadd.f32 v1, v0;
	_ =	sdelay $0x1  }
0xa3: {  	v0 =	vmul.f32 $2.000000030e-01, v0;
	_ =	sdelay $0x1  }
0xa4: {  	[tilespmem:s14+$0x5140] =	vst v0  }
0xa5: {  	v0 =	vld [tilespmem:s13+$0xFFFFFF10]  }
0xa6: {  	v1 =	vld [tilespmem:s13+$0xFFFFFF90]  }
0xa7: {  	v2 =	vld [tilespmem:s13+$0x10]  }
0xa8: {  	v3 =	vld [tilespmem:s13+$0x90]  }
0xa9: {  	v4 =	vld [tilespmem:s13+$0x110];
	_ =	sdelay $0x1  }
0xaa: {  	v0 =	vadd.f32 v1, v0;
	_ =	sdelay $0x1  }
0xab: {  	v0 =	vadd.f32 v2, v0;
	_ =	sdelay $0x1  }
0xac: {  	v0 =	vadd.f32 v3, v0;
	_ =	sdelay $0x1  }
0xad: {  	v0 =	vadd.f32 v4, v0;
	_ =	sdelay $0x1  }
0xae: {  	v0 =	vmul.f32 $2.000000030e-01, v0;
	_ =	sdelay $0x1  }
0xaf: {  	[tilespmem:s14+$0x5150] =	vst v0  }
0xb0: {  	v0 =	vld [tilespmem:s13+$0xFFFFFF20]  }
0xb1: {  	v1 =	vld [tilespmem:s13+$0xFFFFFFA0]  }
0xb2: {  	v2 =	vld [tilespmem:s13+$0x20]  }
0xb3: {  	v3 =	vld [tilespmem:s13+$0xA0]  }
0xb4: {  	v4 =	vld [tilespmem:s13+$0x120];
	_ =	sdelay $0x1  }
0xb5: {  	v0 =	vadd.f32 v1, v0;
	_ =	sdelay $0x1  }
0xb6: {  	v0 =	vadd.f32 v2, v0;
	_ =	sdelay $0x1  }
0xb7: {  	v0 =	vadd.f32 v3, v0;
	_ =	sdelay $0x1  }
0xb8: {  	v0 =	vadd.f32 v4, v0;
	_ =	sdelay $0x1  }
0xb9: {  	v0 =	vmul.f32 $2.000000030e-01, v0;
	_ =	sdelay $0x1  }
0xba: {  	[tilespmem:s14+$0x5160] =	vst v0  }
0xbb: {  	v3 =	vld [tilespmem:s13+$0xFFFFFF30]  }
0xbc: {  	v4 =	vld [tilespmem:s13+$0xFFFFFFB0]  }
.Ltmp0:
0xbd: {  	v2 =	vld [tilespmem:s13+$0x30];
	(pc) =	sbr.rel @p0 .LBB2_2-.Ltmp0, $3  }
0xbe: {  	v0 =	vld [tilespmem:s13+$0xB0]  }
0xbf: {  	v1 =	vld [tilespmem:s13+$0x130];
	_ =	sdelay $0x1  }
0xc0: {  	v3 =	vadd.f32 v4, v3  }
0xc1: {  	_ = 	snop  }
0xc2: {  	v2 =	vadd.f32 v2, v3;
	_ =	sdelay $0x1  }
0xc3: {  	v0 =	vadd.f32 v0, v2;
	_ =	sdelay $0x1  }
0xc4: {  	v0 =	vadd.f32 v1, v0;
	_ =	sdelay $0x1  }
0xc5: {  	s12 =	sadd.s32 $0x1, s12;
	v0 =	vmul.f32 $2.000000030e-01, v0  }
0xc6: {  	p0 =	sne.s32 s12, s6  }
.Ltmp1:
0xc7: {  	[tilespmem:s14+$0x5170] =	vst v0;
	(pc) =	sbr.rel @p0 .LBB2_1-.Ltmp1, $4  }
0xc8: {  	[hbm4b:s5+s3] =	stream.linear.scatter [tilespmem:s11], [sflag:$0x2], $0x1000, $0x38;
	[tilespmem:$0x6100] =	vst v63  }
0xc9: {  	_ =	swait.ge [sflag:s7], $0x1000  }
0xca: {  	[sflag:s7] =	ssyncset.done $0x0  }
0xcb: {  	[sflag:s7] =	ssyncadd.s32 $0xFFFFF000  }
0xcc: {  	_ =	sfence.sel $0x180000  }
0xcd: {  	[bflag:$0x0] =	sbarrier.arrive $0xFFFF  }
0xce: {  	p0 =	sne.s32 s0, $0x0;
	_ =	strace $0x90000047  }
0xcf: {  	s0 =	sadd.s32 @!p0 $0x100000, s2;
	[bflag:$0x2] =	sbarrier.arrive $0xFFFF  }
0xd0: {  	[sflag:s0] =	ssyncadd.tile.s32 @!p0 $0x1;
	_ =	shalt  }
.Lfunc_end2:
_tile_overlayer_lowered:
.L_overlay_start_2:
0xd1: {  	(tag) =	ssettag $0x2  }
0xd2: {  	s0 =	rddreg [dreg:$0x0];
	s2 =	stileid.u32  }
0xd3: {  	s1 =	rddreg [dreg:$0x1];
	p0 =	sne.s32 s2, $0x0  }
0xd4: {  	s3 =	rddreg [dreg:$0x2];
	[bflag:$0x3] =	sbarrier.arrive $0xFFFF;
	s2 =	simm.s32 @!p0 $0x1C02  }
0xd5: {  	[timem:s3], [sflag:s2] =	dma.local @!p0 [hbm:s0], s1  }
0xd6: {  	s0 =	simm.s32 @!p0 $0x2  }
0xd7: {  	_ =	swait.ge @!p0 [sflag:s0], s1  }
0xd8: {  	s1 =	ssub.s32 @!p0 $0x0, s1;
	[sflag:s0] =	ssyncset.done @!p0 $0x0  }
0xd9: {  	[sflag:s0] =	ssyncadd.s32 @!p0 s1  }
0xda: {  	[bflag:$0x3] =	sbarrier.arrive $0xFFFF  }
0xdb: {  	_ =	shalt  }

</sc_bundles>
